<compile_context>
chip_gen: v7x
topology: tpu7x:2x2x1
jax: 0.10.2.dev20260603
libtpu: 0.0.44.dev20260713+nightly
codegen_flags: <defaults>
</compile_context>

<pallas_src>
import functools

import jax
import jax.numpy as jnp
from jax import lax
from jax.experimental import pallas as pl
from jax.experimental.pallas import tpu as pltpu
from jax.experimental.pallas import tpu_sc as plsc

N = 10000
E = 320000
D = 128
H = 128
C = 16

NC = 2
NS = 16
NW = NC * NS

EPT = E // NW
CHUNK = 128
NCH = -(-EPT // CHUNK)
EPAD = NCH * CHUNK

ROWS_PER_TILE = 632
NACC = ROWS_PER_TILE * NS

_INTERPRET = False


def _make_prop(F):
  mesh = plsc.VectorSubcoreMesh(
      core_axis_name="c", subcore_axis_name="s", num_cores=NC, num_subcores=NS)

  @functools.partial(
      pl.kernel,
      out_type=jax.ShapeDtypeStruct((NC, NACC, F), jnp.float32),
      mesh=mesh,
      scratch_types=[
          pltpu.VMEM_SHARED((NACC, F), jnp.float32),
          pltpu.VMEM((NCH, CHUNK), jnp.int32),
          pltpu.VMEM((NCH, CHUNK), jnp.int32),
          pltpu.VMEM((CHUNK, F), jnp.float32),
      ],
      compiler_params=pltpu.CompilerParams(use_tc_tiling_on_sc=(F == 128)),
      interpret=_INTERPRET,
  )
  def prop(g_hbm, col_hbm, row2_hbm, zeros_hbm, out_hbm,
           acc, col_v, row2_v, buf):
    c = lax.axis_index("c")
    s = lax.axis_index("s")
    w = c * NS + s
    r0 = s * ROWS_PER_TILE
    pltpu.sync_copy(zeros_hbm.at[pl.ds(r0, ROWS_PER_TILE)],
                    acc.at[pl.ds(r0, ROWS_PER_TILE)])
    pltpu.sync_copy(col_hbm.at[w], col_v)
    pltpu.sync_copy(row2_hbm.at[w], row2_v)
    plsc.subcore_barrier()

    def body(j, carry):
      pltpu.sync_copy(g_hbm.at[col_v.at[j]], buf)
      pltpu.sync_copy(buf, acc.at[row2_v.at[j]], add=True)
      return carry

    lax.fori_loop(0, NCH, body, 0)
    plsc.subcore_barrier()
    pltpu.sync_copy(acc.at[pl.ds(r0, ROWS_PER_TILE)],
                    out_hbm.at[c, pl.ds(r0, ROWS_PER_TILE)])

  return prop


def _edge_prep(row_r, col_r):
  rows = row_r.shape[0]

  def body(r_ref, c_ref, o_ref):
    r = r_ref[...]
    o_ref[...] = jnp.where(r == c_ref[...], jnp.int32(N), r)

  return pl.pallas_call(
      body,
      out_shape=jax.ShapeDtypeStruct((rows, 128), jnp.int32),
      interpret=_INTERPRET,
  )(row_r, col_r)


def _dis_kernel(d0, d1):
  def body(a_ref, b_ref, o_ref):
    deg = a_ref[...] + b_ref[...]
    deg = deg[:, 0:1]
    o_ref[...] = jnp.where(deg > 0, lax.rsqrt(deg), 0.0)

  return pl.pallas_call(
      body,
      grid=(10,),
      in_specs=[pl.BlockSpec((1000, 16), lambda i: (i, 0)),
                pl.BlockSpec((1000, 16), lambda i: (i, 0))],
      out_specs=pl.BlockSpec((1000, 1), lambda i: (i, 0)),
      out_shape=jax.ShapeDtypeStruct((N, 1), jnp.float32),
      interpret=_INTERPRET,
  )(d0, d1)


def _layer_first(x, dis, W0, W1, bb):
  Fo = W0.shape[1]

  def body(x_ref, d_ref, w0_ref, w1_ref, b_ref, u_ref, g_ref):
    xb = x_ref[...]
    u_ref[...] = jnp.dot(xb, w0_ref[...],
                         preferred_element_type=jnp.float32) + b_ref[0:1, :]
    g_ref[...] = jnp.dot(xb * d_ref[...], w1_ref[...],
                         preferred_element_type=jnp.float32)

  return pl.pallas_call(
      body,
      grid=(10,),
      in_specs=[pl.BlockSpec((1000, D), lambda i: (i, 0)),
                pl.BlockSpec((1000, 1), lambda i: (i, 0)),
                pl.BlockSpec((D, Fo), lambda i: (0, 0)),
                pl.BlockSpec((D, Fo), lambda i: (0, 0)),
                pl.BlockSpec((8, Fo), lambda i: (0, 0))],
      out_specs=[pl.BlockSpec((1000, Fo), lambda i: (i, 0)),
                 pl.BlockSpec((1000, Fo), lambda i: (i, 0))],
      out_shape=[jax.ShapeDtypeStruct((N, Fo), jnp.float32),
                 jax.ShapeDtypeStruct((N, Fo), jnp.float32)],
      interpret=_INTERPRET,
  )(x, dis, W0, W1, bb)


def _layer_mid(u_prev, s0, s1, dis, W0, W1, bb):
  Fi = W0.shape[0]
  Fo = W0.shape[1]

  def body(u_ref, s0_ref, s1_ref, d_ref, w0_ref, w1_ref, b_ref, uo_ref, g_ref):
    d = d_ref[...]
    h = jax.nn.relu(u_ref[...] - d * (s0_ref[...] + s1_ref[...]))
    uo_ref[...] = jnp.dot(h, w0_ref[...],
                          preferred_element_type=jnp.float32) + b_ref[0:1, :]
    g_ref[...] = jnp.dot(h * d, w1_ref[...],
                         preferred_element_type=jnp.float32)

  return pl.pallas_call(
      body,
      grid=(10,),
      in_specs=[pl.BlockSpec((1000, Fi), lambda i: (i, 0)),
                pl.BlockSpec((1000, Fi), lambda i: (i, 0)),
                pl.BlockSpec((1000, Fi), lambda i: (i, 0)),
                pl.BlockSpec((1000, 1), lambda i: (i, 0)),
                pl.BlockSpec((Fi, Fo), lambda i: (0, 0)),
                pl.BlockSpec((Fi, Fo), lambda i: (0, 0)),
                pl.BlockSpec((8, Fo), lambda i: (0, 0))],
      out_specs=[pl.BlockSpec((1000, Fo), lambda i: (i, 0)),
                 pl.BlockSpec((1000, Fo), lambda i: (i, 0))],
      out_shape=[jax.ShapeDtypeStruct((N, Fo), jnp.float32),
                 jax.ShapeDtypeStruct((N, Fo), jnp.float32)],
      interpret=_INTERPRET,
  )(u_prev, s0, s1, dis, W0, W1, bb)


def _layer_final(u3, s0, s1, dis):
  def body(u_ref, s0_ref, s1_ref, d_ref, o_ref):
    o_ref[...] = jnp.tanh(
        u_ref[...] - d_ref[...] * (s0_ref[...] + s1_ref[...]))

  return pl.pallas_call(
      body,
      grid=(10,),
      in_specs=[pl.BlockSpec((1000, C), lambda i: (i, 0)),
                pl.BlockSpec((1000, C), lambda i: (i, 0)),
                pl.BlockSpec((1000, C), lambda i: (i, 0)),
                pl.BlockSpec((1000, 1), lambda i: (i, 0))],
      out_specs=pl.BlockSpec((1000, C), lambda i: (i, 0)),
      out_shape=jax.ShapeDtypeStruct((N, C), jnp.float32),
      interpret=_INTERPRET,
  )(u3, s0, s1, dis)


def kernel(x, edge_index, Wi, bi, Wh1, bh1, Wh2, bh2, Wo, bo):
  row = edge_index[0].astype(jnp.int32)
  col = edge_index[1].astype(jnp.int32)

  row2 = _edge_prep(row.reshape(E // 128, 128),
                    col.reshape(E // 128, 128)).reshape(E)

  def slab(v, fill):
    v = v.reshape(NW, EPT)
    v = jnp.pad(v, ((0, 0), (0, EPAD - EPT)), constant_values=fill)
    return v.reshape(NW, NCH, CHUNK)

  col_3d = slab(col, 0)
  row2_3d = slab(row2, N)

  zeros128 = jnp.zeros((NACC, 128), jnp.float32)
  zeros16 = jnp.zeros((NACC, 16), jnp.float32)
  ones16 = jnp.ones((N, 16), jnp.float32)

  prop128 = _make_prop(128)
  prop16 = _make_prop(16)

  degp = prop16(ones16, col_3d, row2_3d, zeros16)
  dis = _dis_kernel(degp[0, :N], degp[1, :N])

  def bias2d(b):
    return jnp.broadcast_to(b[None, :], (8, b.shape[0]))

  u, g = _layer_first(x, dis, Wi[0], Wi[1], bias2d(bi))
  sp = prop128(g, col_3d, row2_3d, zeros128)
  u, g = _layer_mid(u, sp[0, :N], sp[1, :N], dis, Wh1[0], Wh1[1], bias2d(bh1))
  sp = prop128(g, col_3d, row2_3d, zeros128)
  u, g = _layer_mid(u, sp[0, :N], sp[1, :N], dis, Wh2[0], Wh2[1], bias2d(bh2))
  sp = prop128(g, col_3d, row2_3d, zeros128)
  u, g = _layer_mid(u, sp[0, :N], sp[1, :N], dis, Wo[0], Wo[1], bias2d(bo))
  sp = prop16(g, col_3d, row2_3d, zeros16)
  return _layer_final(u, sp[0, :N], sp[1, :N], dis)

# --- scband reference (transcript-rebuilt; emitter-appended) ---
"""Pipeline reference for scband-pcheby-39221641347457 (READ-ONLY COPY).

The authoritative reference and input builder live on the scoring server;
editing this copy changes nothing except your own understanding.
"""

import jax, jax.numpy as jnp
import numpy as np

N = 10000
E = 320000
D = 128
H = 128
C = 16
K = 2


def setup_inputs(seed: int = 0) -> dict:
    key = jax.random.key(seed)
    ks = jax.random.split(key, 12)
    x = jax.random.normal(ks[0], (N, D), dtype=jnp.float32)
    edge_index = jax.random.randint(ks[1], (2, E), 0, N)

    def lin_w(k, fan_in, fan_out):
        s = 1.0 / np.sqrt(fan_in)
        return jax.random.uniform(k, (K, fan_in, fan_out), minval=-s, maxval=s, dtype=jnp.float32)

    def lin_b(k, fan_in, fan_out):
        s = 1.0 / np.sqrt(fan_in)
        return jax.random.uniform(k, (fan_out,), minval=-s, maxval=s, dtype=jnp.float32)

    Wi = lin_w(ks[2], D, H); bi = lin_b(ks[3], D, H)
    Wh1 = lin_w(ks[4], H, H); bh1 = lin_b(ks[5], H, H)
    Wh2 = lin_w(ks[6], H, H); bh2 = lin_b(ks[7], H, H)
    Wo = lin_w(ks[8], H, C); bo = lin_b(ks[9], H, C)
    return {"x": x, "edge_index": edge_index, "Wi": Wi, "bi": bi,
            "Wh1": Wh1, "bh1": bh1, "Wh2": Wh2, "bh2": bh2,
            "Wo": Wo, "bo": bo}


def reference(x, edge_index, Wi, bi, Wh1, bh1, Wh2, bh2, Wo, bo):
    # ChebConv with sym normalization, lambda_max = 2.0 (PyG default):
    # L_hat = (2/lambda_max) * (I - D^-1/2 A D^-1/2) - I = -D^-1/2 A D^-1/2
    row, col = edge_index[0], edge_index[1]
    w = jnp.where(row != col, 1.0, 0.0)  # remove_self_loops
    deg = jax.ops.segment_sum(w, row, num_segments=N)
    dis = jnp.where(deg > 0, 1.0 / jnp.sqrt(deg), 0.0)
    norm_w = -dis[row] * w * dis[col]

    def prop(h):
        return jax.ops.segment_sum(norm_w[:, None] * h[col], row, num_segments=N)

    def cheb(h, W, b):
        Tx0 = h
        out = Tx0 @ W[0]
        Tx1 = prop(Tx0)
        out = out + Tx1 @ W[1]
        for k in range(2, W.shape[0]):
            Tx2 = 2.0 * prop(Tx1) - Tx0
            out = out + Tx2 @ W[k]
            Tx0, Tx1 = Tx1, Tx2
        return out + b

    # dropout is identity in eval mode
    h = jax.nn.relu(cheb(x, Wi, bi))
    h = jax.nn.relu(cheb(h, Wh1, bh1))
    h = jax.nn.relu(cheb(h, Wh2, bh2))
    h = cheb(h, Wo, bo)
    return jnp.tanh(h)

if __name__ == "__main__":
    import jax
    _d = setup_inputs()
    print(jax.jit(kernel)(*tuple(_d.values())))

</pallas_src>

<mosaic_0001>
#map = affine_map<(d0, d1) -> (0, 0)>
#map1 = affine_map<(d0, d1) -> (0, 0, 0)>
module attributes {stable_mosaic.version = 14 : i64} {
  func.func @prop(%arg0: i32, %arg1: i32, %arg2: memref<10000x128xf32, #tpu.memory_space<hbm>>, %arg3: memref<32x79x128xi32, #tpu.memory_space<hbm>>, %arg4: memref<32x79x128xi32, #tpu.memory_space<hbm>>, %arg5: memref<10112x128xf32, #tpu.memory_space<hbm>>, %arg6: memref<2x10112x128xf32, #tpu.memory_space<hbm>>, %arg7: memref<10112x128xf32, #tpu.memory_space<vmem_shared>>, %arg8: memref<79x128xi32, #tpu.memory_space<vmem>>, %arg9: memref<79x128xi32, #tpu.memory_space<vmem>>, %arg10: memref<128x128xf32, #tpu.memory_space<vmem>>) attributes {dimension_semantics = [#tpu.dimension_semantics<core_parallel>, #tpu.dimension_semantics<subcore_parallel>], iteration_bounds = array<i64: 2, 16>, scalar_prefetch = 0 : i64, scratch_operands = 4 : i64, tpu.core_type = #tpu.core_type<sc_vector_subcore>, window_params = [{transform_indices = #map}, {transform_indices = #map1}, {transform_indices = #map1}, {transform_indices = #map}, {transform_indices = #map1}]} {
    %mul3A = arith.constant 16 : i32
    %mul3A_0 = arith.muli %arg0, %mul3A : i32
    %add3A = arith.addi %mul3A_0, %arg1 : i32
    %mul3A_1 = arith.constant 632 : i32
    %mul3A_2 = arith.muli %arg1, %mul3A_1 : i32
    "tpu.region"() ({
      %run_scoped3A = tpu.sem_alloc : memref<!tpu.dma_semaphore, #tpu.memory_space<semaphore_mem>>
      %dma_start3A = arith.constant 0 : i32
      %dma_start3A_9 = tpu.memref_slice %arg7[%mul3A_2, %dma_start3A] : memref<10112x128xf32, #tpu.memory_space<vmem_shared>> -> memref<632x128xf32, #tpu.memory_space<vmem_shared>>
      %dma_start3A_10 = arith.constant 0 : i32
      %dma_start3A_11 = tpu.memref_slice %arg5[%mul3A_2, %dma_start3A_10] : memref<10112x128xf32, #tpu.memory_space<hbm>> -> memref<632x128xf32, #tpu.memory_space<hbm>>
      tpu.enqueue_dma source(%dma_start3A_11 : memref<632x128xf32, #tpu.memory_space<hbm>>) target(%dma_start3A_9 : memref<632x128xf32, #tpu.memory_space<vmem_shared>>) target_semaphore(%run_scoped3A : memref<!tpu.dma_semaphore, #tpu.memory_space<semaphore_mem>>)
      %dma_wait3A = arith.constant 0 : i32
      %dma_wait3A_12 = tpu.memref_slice %arg7[%mul3A_2, %dma_wait3A] : memref<10112x128xf32, #tpu.memory_space<vmem_shared>> -> memref<632x128xf32, #tpu.memory_space<vmem_shared>>
      %dma_wait3A_13 = arith.constant 0 : i32
      %dma_wait3A_14 = tpu.memref_slice %arg5[%mul3A_2, %dma_wait3A_13] : memref<10112x128xf32, #tpu.memory_space<hbm>> -> memref<632x128xf32, #tpu.memory_space<hbm>>
      tpu.wait_dma2 semaphore(%run_scoped3A : memref<!tpu.dma_semaphore, #tpu.memory_space<semaphore_mem>>) src(%dma_wait3A_14 : memref<632x128xf32, #tpu.memory_space<hbm>>) dst(%dma_wait3A_12 : memref<632x128xf32, #tpu.memory_space<vmem_shared>>)
      tpu.yield
    }) : () -> ()
    "tpu.region"() ({
      %run_scoped3A = tpu.sem_alloc : memref<!tpu.dma_semaphore, #tpu.memory_space<semaphore_mem>>
      %dma_start3A = arith.constant 0 : i32
      %dma_start3A_9 = arith.constant 0 : i32
      %dma_start3A_10 = tpu.memref_slice %arg3[%add3A, %dma_start3A, %dma_start3A_9] : memref<32x79x128xi32, #tpu.memory_space<hbm>> -> memref<1x79x128xi32, #tpu.memory_space<hbm>>
      %dma_start3A_11 = tpu.memref_squeeze %dma_start3A_10 : memref<1x79x128xi32, #tpu.memory_space<hbm>> -> memref<79x128xi32, #tpu.memory_space<hbm>>
      %dma_start3A_12 = arith.constant 0 : i32
      %dma_start3A_13 = arith.constant 0 : i32
      %dma_start3A_14 = tpu.memref_slice %arg3[%add3A, %dma_start3A_12, %dma_start3A_13] : memref<32x79x128xi32, #tpu.memory_space<hbm>> -> memref<1x79x128xi32, #tpu.memory_space<hbm>>
      %dma_start3A_15 = tpu.memref_squeeze %dma_start3A_14 : memref<1x79x128xi32, #tpu.memory_space<hbm>> -> memref<79x128xi32, #tpu.memory_space<hbm>>
      tpu.enqueue_dma source(%dma_start3A_15 : memref<79x128xi32, #tpu.memory_space<hbm>>) target(%arg8 : memref<79x128xi32, #tpu.memory_space<vmem>>) target_semaphore(%run_scoped3A : memref<!tpu.dma_semaphore, #tpu.memory_space<semaphore_mem>>)
      %dma_wait3A = arith.constant 0 : i32
      %dma_wait3A_16 = arith.constant 0 : i32
      %dma_wait3A_17 = tpu.memref_slice %arg3[%add3A, %dma_wait3A, %dma_wait3A_16] : memref<32x79x128xi32, #tpu.memory_space<hbm>> -> memref<1x79x128xi32, #tpu.memory_space<hbm>>
      %dma_wait3A_18 = tpu.memref_squeeze %dma_wait3A_17 : memref<1x79x128xi32, #tpu.memory_space<hbm>> -> memref<79x128xi32, #tpu.memory_space<hbm>>
      %dma_wait3A_19 = arith.constant 0 : i32
      %dma_wait3A_20 = arith.constant 0 : i32
      %dma_wait3A_21 = tpu.memref_slice %arg3[%add3A, %dma_wait3A_19, %dma_wait3A_20] : memref<32x79x128xi32, #tpu.memory_space<hbm>> -> memref<1x79x128xi32, #tpu.memory_space<hbm>>
      %dma_wait3A_22 = tpu.memref_squeeze %dma_wait3A_21 : memref<1x79x128xi32, #tpu.memory_space<hbm>> -> memref<79x128xi32, #tpu.memory_space<hbm>>
      tpu.wait_dma2 semaphore(%run_scoped3A : memref<!tpu.dma_semaphore, #tpu.memory_space<semaphore_mem>>) src(%dma_wait3A_22 : memref<79x128xi32, #tpu.memory_space<hbm>>) dst(%arg8 : memref<79x128xi32, #tpu.memory_space<vmem>>)
      tpu.yield
    }) : () -> ()
    "tpu.region"() ({
      %run_scoped3A = tpu.sem_alloc : memref<!tpu.dma_semaphore, #tpu.memory_space<semaphore_mem>>
      %dma_start3A = arith.constant 0 : i32
      %dma_start3A_9 = arith.constant 0 : i32
      %dma_start3A_10 = tpu.memref_slice %arg4[%add3A, %dma_start3A, %dma_start3A_9] : memref<32x79x128xi32, #tpu.memory_space<hbm>> -> memref<1x79x128xi32, #tpu.memory_space<hbm>>
      %dma_start3A_11 = tpu.memref_squeeze %dma_start3A_10 : memref<1x79x128xi32, #tpu.memory_space<hbm>> -> memref<79x128xi32, #tpu.memory_space<hbm>>
      %dma_start3A_12 = arith.constant 0 : i32
      %dma_start3A_13 = arith.constant 0 : i32
      %dma_start3A_14 = tpu.memref_slice %arg4[%add3A, %dma_start3A_12, %dma_start3A_13] : memref<32x79x128xi32, #tpu.memory_space<hbm>> -> memref<1x79x128xi32, #tpu.memory_space<hbm>>
      %dma_start3A_15 = tpu.memref_squeeze %dma_start3A_14 : memref<1x79x128xi32, #tpu.memory_space<hbm>> -> memref<79x128xi32, #tpu.memory_space<hbm>>
      tpu.enqueue_dma source(%dma_start3A_15 : memref<79x128xi32, #tpu.memory_space<hbm>>) target(%arg9 : memref<79x128xi32, #tpu.memory_space<vmem>>) target_semaphore(%run_scoped3A : memref<!tpu.dma_semaphore, #tpu.memory_space<semaphore_mem>>)
      %dma_wait3A = arith.constant 0 : i32
      %dma_wait3A_16 = arith.constant 0 : i32
      %dma_wait3A_17 = tpu.memref_slice %arg4[%add3A, %dma_wait3A, %dma_wait3A_16] : memref<32x79x128xi32, #tpu.memory_space<hbm>> -> memref<1x79x128xi32, #tpu.memory_space<hbm>>
      %dma_wait3A_18 = tpu.memref_squeeze %dma_wait3A_17 : memref<1x79x128xi32, #tpu.memory_space<hbm>> -> memref<79x128xi32, #tpu.memory_space<hbm>>
      %dma_wait3A_19 = arith.constant 0 : i32
      %dma_wait3A_20 = arith.constant 0 : i32
      %dma_wait3A_21 = tpu.memref_slice %arg4[%add3A, %dma_wait3A_19, %dma_wait3A_20] : memref<32x79x128xi32, #tpu.memory_space<hbm>> -> memref<1x79x128xi32, #tpu.memory_space<hbm>>
      %dma_wait3A_22 = tpu.memref_squeeze %dma_wait3A_21 : memref<1x79x128xi32, #tpu.memory_space<hbm>> -> memref<79x128xi32, #tpu.memory_space<hbm>>
      tpu.wait_dma2 semaphore(%run_scoped3A : memref<!tpu.dma_semaphore, #tpu.memory_space<semaphore_mem>>) src(%dma_wait3A_22 : memref<79x128xi32, #tpu.memory_space<hbm>>) dst(%arg9 : memref<79x128xi32, #tpu.memory_space<vmem>>)
      tpu.yield
    }) : () -> ()
    %barrier3A = arith.constant 0 : index
    tpu.barrier barrier_id(%barrier3A)
    %scan3A = arith.constant 0 : i32
    %scan3A_3 = arith.constant 0 : i32
    %scan3A_4 = arith.constant 79 : i32
    %scan3A_5 = arith.addi %scan3A_3, %scan3A_4 : i32
    %scan3A_6 = arith.constant 1 : i32
    scf.for %scan3A_9 = %scan3A_3 to %scan3A_5 step %scan3A_6  : i32 {
      "tpu.region"() ({
        %run_scoped3A = tpu.sem_alloc : memref<!tpu.dma_semaphore, #tpu.memory_space<semaphore_mem>>
        %dma_start3A = arith.constant 0 : i32
        %dma_start3A_10 = tpu.memref_slice %arg8[%scan3A_9, %dma_start3A] : memref<79x128xi32, #tpu.memory_space<vmem>> -> memref<1x128xi32, #tpu.memory_space<vmem>>
        %dma_start3A_11 = tpu.memref_squeeze %dma_start3A_10 : memref<1x128xi32, #tpu.memory_space<vmem>> -> memref<128xi32, #tpu.memory_space<vmem>>
        %dma_start3A_12 = arith.constant 0 : i32
        %dma_start3A_13 = arith.constant 0 : i32
        %dma_start3A_14 = tpu.memref_slice %arg2[%dma_start3A_12, %dma_start3A_13] : memref<10000x128xf32, #tpu.memory_space<hbm>> -> memref<10000x128xf32, #tpu.memory_space<hbm>>
        tpu.enqueue_indirect_dma source(%dma_start3A_14 : memref<10000x128xf32, #tpu.memory_space<hbm>>) target(%arg10 : memref<128x128xf32, #tpu.memory_space<vmem>>) offsets(%dma_start3A_11 : memref<128xi32, #tpu.memory_space<vmem>>) semaphore(%run_scoped3A : memref<!tpu.dma_semaphore, #tpu.memory_space<semaphore_mem>>)
        %dma_wait3A = arith.constant 0 : i32
        %dma_wait3A_15 = tpu.memref_slice %arg8[%scan3A_9, %dma_wait3A] : memref<79x128xi32, #tpu.memory_space<vmem>> -> memref<1x128xi32, #tpu.memory_space<vmem>>
        %dma_wait3A_16 = tpu.memref_squeeze %dma_wait3A_15 : memref<1x128xi32, #tpu.memory_space<vmem>> -> memref<128xi32, #tpu.memory_space<vmem>>
        %dma_wait3A_17 = arith.constant 0 : i32
        %dma_wait3A_18 = arith.constant 0 : i32
        %dma_wait3A_19 = tpu.memref_slice %arg2[%dma_wait3A_17, %dma_wait3A_18] : memref<10000x128xf32, #tpu.memory_space<hbm>> -> memref<10000x128xf32, #tpu.memory_space<hbm>>
        tpu.wait_indirect_dma semaphore(%run_scoped3A : memref<!tpu.dma_semaphore, #tpu.memory_space<semaphore_mem>>) src(%dma_wait3A_19 : memref<10000x128xf32, #tpu.memory_space<hbm>>) dst(%arg10 : memref<128x128xf32, #tpu.memory_space<vmem>>)
        tpu.yield
      }) : () -> ()
      "tpu.region"() ({
        %run_scoped3A = tpu.sem_alloc : memref<!tpu.dma_semaphore, #tpu.memory_space<semaphore_mem>>
        %dma_start3A = arith.constant 0 : i32
        %dma_start3A_10 = tpu.memref_slice %arg9[%scan3A_9, %dma_start3A] : memref<79x128xi32, #tpu.memory_space<vmem>> -> memref<1x128xi32, #tpu.memory_space<vmem>>
        %dma_start3A_11 = tpu.memref_squeeze %dma_start3A_10 : memref<1x128xi32, #tpu.memory_space<vmem>> -> memref<128xi32, #tpu.memory_space<vmem>>
        %dma_start3A_12 = arith.constant 0 : i32
        %dma_start3A_13 = arith.constant 0 : i32
        %dma_start3A_14 = tpu.memref_slice %arg7[%dma_start3A_12, %dma_start3A_13] : memref<10112x128xf32, #tpu.memory_space<vmem_shared>> -> memref<10112x128xf32, #tpu.memory_space<vmem_shared>>
        tpu.enqueue_indirect_dma source(%arg10 : memref<128x128xf32, #tpu.memory_space<vmem>>) target(%dma_start3A_14 : memref<10112x128xf32, #tpu.memory_space<vmem_shared>>) offsets(%dma_start3A_11 : memref<128xi32, #tpu.memory_space<vmem>>) semaphore(%run_scoped3A : memref<!tpu.dma_semaphore, #tpu.memory_space<semaphore_mem>>) {add = true}
        %dma_wait3A = arith.constant 0 : i32
        %dma_wait3A_15 = tpu.memref_slice %arg9[%scan3A_9, %dma_wait3A] : memref<79x128xi32, #tpu.memory_space<vmem>> -> memref<1x128xi32, #tpu.memory_space<vmem>>
        %dma_wait3A_16 = tpu.memref_squeeze %dma_wait3A_15 : memref<1x128xi32, #tpu.memory_space<vmem>> -> memref<128xi32, #tpu.memory_space<vmem>>
        %dma_wait3A_17 = arith.constant 0 : i32
        %dma_wait3A_18 = arith.constant 0 : i32
        %dma_wait3A_19 = tpu.memref_slice %arg7[%dma_wait3A_17, %dma_wait3A_18] : memref<10112x128xf32, #tpu.memory_space<vmem_shared>> -> memref<10112x128xf32, #tpu.memory_space<vmem_shared>>
        tpu.wait_indirect_dma semaphore(%run_scoped3A : memref<!tpu.dma_semaphore, #tpu.memory_space<semaphore_mem>>) src(%arg10 : memref<128x128xf32, #tpu.memory_space<vmem>>) dst(%dma_wait3A_19 : memref<10112x128xf32, #tpu.memory_space<vmem_shared>>)
        tpu.yield
      }) : () -> ()
    }
    %scan3A_7 = arith.constant 79 : i32
    %barrier3A_8 = arith.constant 0 : index
    tpu.barrier barrier_id(%barrier3A_8)
    "tpu.region"() ({
      %run_scoped3A = tpu.sem_alloc : memref<!tpu.dma_semaphore, #tpu.memory_space<semaphore_mem>>
      %dma_start3A = arith.constant 0 : i32
      %dma_start3A_9 = tpu.memref_slice %arg6[%arg0, %mul3A_2, %dma_start3A] : memref<2x10112x128xf32, #tpu.memory_space<hbm>> -> memref<1x632x128xf32, #tpu.memory_space<hbm>>
      %dma_start3A_10 = tpu.memref_squeeze %dma_start3A_9 : memref<1x632x128xf32, #tpu.memory_space<hbm>> -> memref<632x128xf32, #tpu.memory_space<hbm>>
      %dma_start3A_11 = arith.constant 0 : i32
      %dma_start3A_12 = tpu.memref_slice %arg7[%mul3A_2, %dma_start3A_11] : memref<10112x128xf32, #tpu.memory_space<vmem_shared>> -> memref<632x128xf32, #tpu.memory_space<vmem_shared>>
      tpu.enqueue_dma source(%dma_start3A_12 : memref<632x128xf32, #tpu.memory_space<vmem_shared>>) target(%dma_start3A_10 : memref<632x128xf32, #tpu.memory_space<hbm>>) target_semaphore(%run_scoped3A : memref<!tpu.dma_semaphore, #tpu.memory_space<semaphore_mem>>)
      %dma_wait3A = arith.constant 0 : i32
      %dma_wait3A_13 = tpu.memref_slice %arg6[%arg0, %mul3A_2, %dma_wait3A] : memref<2x10112x128xf32, #tpu.memory_space<hbm>> -> memref<1x632x128xf32, #tpu.memory_space<hbm>>
      %dma_wait3A_14 = tpu.memref_squeeze %dma_wait3A_13 : memref<1x632x128xf32, #tpu.memory_space<hbm>> -> memref<632x128xf32, #tpu.memory_space<hbm>>
      %dma_wait3A_15 = arith.constant 0 : i32
      %dma_wait3A_16 = tpu.memref_slice %arg7[%mul3A_2, %dma_wait3A_15] : memref<10112x128xf32, #tpu.memory_space<vmem_shared>> -> memref<632x128xf32, #tpu.memory_space<vmem_shared>>
      tpu.wait_dma2 semaphore(%run_scoped3A : memref<!tpu.dma_semaphore, #tpu.memory_space<semaphore_mem>>) src(%dma_wait3A_16 : memref<632x128xf32, #tpu.memory_space<vmem_shared>>) dst(%dma_wait3A_14 : memref<632x128xf32, #tpu.memory_space<hbm>>)
      tpu.yield
    }) : () -> ()
    return
  }
}

#map = affine_map<(d0, d1) -> (0, 0)>
#map1 = affine_map<(d0, d1) -> (0, 0, 0)>
module attributes {stable_mosaic.version = 14 : i64} {
  func.func @prop(%arg0: i32, %arg1: i32, %arg2: memref<10000x16xf32, #tpu.memory_space<hbm>>, %arg3: memref<32x79x128xi32, #tpu.memory_space<hbm>>, %arg4: memref<32x79x128xi32, #tpu.memory_space<hbm>>, %arg5: memref<10112x16xf32, #tpu.memory_space<hbm>>, %arg6: memref<2x10112x16xf32, #tpu.memory_space<hbm>>, %arg7: memref<10112x16xf32, #tpu.memory_space<vmem_shared>>, %arg8: memref<79x128xi32, #tpu.memory_space<vmem>>, %arg9: memref<79x128xi32, #tpu.memory_space<vmem>>, %arg10: memref<128x16xf32, #tpu.memory_space<vmem>>) attributes {dimension_semantics = [#tpu.dimension_semantics<core_parallel>, #tpu.dimension_semantics<subcore_parallel>], iteration_bounds = array<i64: 2, 16>, scalar_prefetch = 0 : i64, scratch_operands = 4 : i64, tpu.core_type = #tpu.core_type<sc_vector_subcore>, window_params = [{transform_indices = #map}, {transform_indices = #map1}, {transform_indices = #map1}, {transform_indices = #map}, {transform_indices = #map1}]} {
    %mul3A = arith.constant 16 : i32
    %mul3A_0 = arith.muli %arg0, %mul3A : i32
    %add3A = arith.addi %mul3A_0, %arg1 : i32
    %mul3A_1 = arith.constant 632 : i32
    %mul3A_2 = arith.muli %arg1, %mul3A_1 : i32
    "tpu.region"() ({
      %run_scoped3A = tpu.sem_alloc : memref<!tpu.dma_semaphore, #tpu.memory_space<semaphore_mem>>
      %dma_start3A = arith.constant 0 : i32
      %dma_start3A_9 = tpu.memref_slice %arg7[%mul3A_2, %dma_start3A] : memref<10112x16xf32, #tpu.memory_space<vmem_shared>> -> memref<632x16xf32, #tpu.memory_space<vmem_shared>>
      %dma_start3A_10 = arith.constant 0 : i32
      %dma_start3A_11 = tpu.memref_slice %arg5[%mul3A_2, %dma_start3A_10] : memref<10112x16xf32, #tpu.memory_space<hbm>> -> memref<632x16xf32, #tpu.memory_space<hbm>>
      tpu.enqueue_dma source(%dma_start3A_11 : memref<632x16xf32, #tpu.memory_space<hbm>>) target(%dma_start3A_9 : memref<632x16xf32, #tpu.memory_space<vmem_shared>>) target_semaphore(%run_scoped3A : memref<!tpu.dma_semaphore, #tpu.memory_space<semaphore_mem>>)
      %dma_wait3A = arith.constant 0 : i32
      %dma_wait3A_12 = tpu.memref_slice %arg7[%mul3A_2, %dma_wait3A] : memref<10112x16xf32, #tpu.memory_space<vmem_shared>> -> memref<632x16xf32, #tpu.memory_space<vmem_shared>>
      %dma_wait3A_13 = arith.constant 0 : i32
      %dma_wait3A_14 = tpu.memref_slice %arg5[%mul3A_2, %dma_wait3A_13] : memref<10112x16xf32, #tpu.memory_space<hbm>> -> memref<632x16xf32, #tpu.memory_space<hbm>>
      tpu.wait_dma2 semaphore(%run_scoped3A : memref<!tpu.dma_semaphore, #tpu.memory_space<semaphore_mem>>) src(%dma_wait3A_14 : memref<632x16xf32, #tpu.memory_space<hbm>>) dst(%dma_wait3A_12 : memref<632x16xf32, #tpu.memory_space<vmem_shared>>)
      tpu.yield
    }) : () -> ()
    "tpu.region"() ({
      %run_scoped3A = tpu.sem_alloc : memref<!tpu.dma_semaphore, #tpu.memory_space<semaphore_mem>>
      %dma_start3A = arith.constant 0 : i32
      %dma_start3A_9 = arith.constant 0 : i32
      %dma_start3A_10 = tpu.memref_slice %arg3[%add3A, %dma_start3A, %dma_start3A_9] : memref<32x79x128xi32, #tpu.memory_space<hbm>> -> memref<1x79x128xi32, #tpu.memory_space<hbm>>
      %dma_start3A_11 = tpu.memref_squeeze %dma_start3A_10 : memref<1x79x128xi32, #tpu.memory_space<hbm>> -> memref<79x128xi32, #tpu.memory_space<hbm>>
      %dma_start3A_12 = arith.constant 0 : i32
      %dma_start3A_13 = arith.constant 0 : i32
      %dma_start3A_14 = tpu.memref_slice %arg3[%add3A, %dma_start3A_12, %dma_start3A_13] : memref<32x79x128xi32, #tpu.memory_space<hbm>> -> memref<1x79x128xi32, #tpu.memory_space<hbm>>
      %dma_start3A_15 = tpu.memref_squeeze %dma_start3A_14 : memref<1x79x128xi32, #tpu.memory_space<hbm>> -> memref<79x128xi32, #tpu.memory_space<hbm>>
      tpu.enqueue_dma source(%dma_start3A_15 : memref<79x128xi32, #tpu.memory_space<hbm>>) target(%arg8 : memref<79x128xi32, #tpu.memory_space<vmem>>) target_semaphore(%run_scoped3A : memref<!tpu.dma_semaphore, #tpu.memory_space<semaphore_mem>>)
      %dma_wait3A = arith.constant 0 : i32
      %dma_wait3A_16 = arith.constant 0 : i32
      %dma_wait3A_17 = tpu.memref_slice %arg3[%add3A, %dma_wait3A, %dma_wait3A_16] : memref<32x79x128xi32, #tpu.memory_space<hbm>> -> memref<1x79x128xi32, #tpu.memory_space<hbm>>
      %dma_wait3A_18 = tpu.memref_squeeze %dma_wait3A_17 : memref<1x79x128xi32, #tpu.memory_space<hbm>> -> memref<79x128xi32, #tpu.memory_space<hbm>>
      %dma_wait3A_19 = arith.constant 0 : i32
      %dma_wait3A_20 = arith.constant 0 : i32
      %dma_wait3A_21 = tpu.memref_slice %arg3[%add3A, %dma_wait3A_19, %dma_wait3A_20] : memref<32x79x128xi32, #tpu.memory_space<hbm>> -> memref<1x79x128xi32, #tpu.memory_space<hbm>>
      %dma_wait3A_22 = tpu.memref_squeeze %dma_wait3A_21 : memref<1x79x128xi32, #tpu.memory_space<hbm>> -> memref<79x128xi32, #tpu.memory_space<hbm>>
      tpu.wait_dma2 semaphore(%run_scoped3A : memref<!tpu.dma_semaphore, #tpu.memory_space<semaphore_mem>>) src(%dma_wait3A_22 : memref<79x128xi32, #tpu.memory_space<hbm>>) dst(%arg8 : memref<79x128xi32, #tpu.memory_space<vmem>>)
      tpu.yield
    }) : () -> ()
    "tpu.region"() ({
      %run_scoped3A = tpu.sem_alloc : memref<!tpu.dma_semaphore, #tpu.memory_space<semaphore_mem>>
      %dma_start3A = arith.constant 0 : i32
      %dma_start3A_9 = arith.constant 0 : i32
      %dma_start3A_10 = tpu.memref_slice %arg4[%add3A, %dma_start3A, %dma_start3A_9] : memref<32x79x128xi32, #tpu.memory_space<hbm>> -> memref<1x79x128xi32, #tpu.memory_space<hbm>>
      %dma_start3A_11 = tpu.memref_squeeze %dma_start3A_10 : memref<1x79x128xi32, #tpu.memory_space<hbm>> -> memref<79x128xi32, #tpu.memory_space<hbm>>
      %dma_start3A_12 = arith.constant 0 : i32
      %dma_start3A_13 = arith.constant 0 : i32
      %dma_start3A_14 = tpu.memref_slice %arg4[%add3A, %dma_start3A_12, %dma_start3A_13] : memref<32x79x128xi32, #tpu.memory_space<hbm>> -> memref<1x79x128xi32, #tpu.memory_space<hbm>>
      %dma_start3A_15 = tpu.memref_squeeze %dma_start3A_14 : memref<1x79x128xi32, #tpu.memory_space<hbm>> -> memref<79x128xi32, #tpu.memory_space<hbm>>
      tpu.enqueue_dma source(%dma_start3A_15 : memref<79x128xi32, #tpu.memory_space<hbm>>) target(%arg9 : memref<79x128xi32, #tpu.memory_space<vmem>>) target_semaphore(%run_scoped3A : memref<!tpu.dma_semaphore, #tpu.memory_space<semaphore_mem>>)
      %dma_wait3A = arith.constant 0 : i32
      %dma_wait3A_16 = arith.constant 0 : i32
      %dma_wait3A_17 = tpu.memref_slice %arg4[%add3A, %dma_wait3A, %dma_wait3A_16] : memref<32x79x128xi32, #tpu.memory_space<hbm>> -> memref<1x79x128xi32, #tpu.memory_space<hbm>>
      %dma_wait3A_18 = tpu.memref_squeeze %dma_wait3A_17 : memref<1x79x128xi32, #tpu.memory_space<hbm>> -> memref<79x128xi32, #tpu.memory_space<hbm>>
      %dma_wait3A_19 = arith.constant 0 : i32
      %dma_wait3A_20 = arith.constant 0 : i32
      %dma_wait3A_21 = tpu.memref_slice %arg4[%add3A, %dma_wait3A_19, %dma_wait3A_20] : memref<32x79x128xi32, #tpu.memory_space<hbm>> -> memref<1x79x128xi32, #tpu.memory_space<hbm>>
      %dma_wait3A_22 = tpu.memref_squeeze %dma_wait3A_21 : memref<1x79x128xi32, #tpu.memory_space<hbm>> -> memref<79x128xi32, #tpu.memory_space<hbm>>
      tpu.wait_dma2 semaphore(%run_scoped3A : memref<!tpu.dma_semaphore, #tpu.memory_space<semaphore_mem>>) src(%dma_wait3A_22 : memref<79x128xi32, #tpu.memory_space<hbm>>) dst(%arg9 : memref<79x128xi32, #tpu.memory_space<vmem>>)
      tpu.yield
    }) : () -> ()
    %barrier3A = arith.constant 0 : index
    tpu.barrier barrier_id(%barrier3A)
    %scan3A = arith.constant 0 : i32
    %scan3A_3 = arith.constant 0 : i32
    %scan3A_4 = arith.constant 79 : i32
    %scan3A_5 = arith.addi %scan3A_3, %scan3A_4 : i32
    %scan3A_6 = arith.constant 1 : i32
    scf.for %scan3A_9 = %scan3A_3 to %scan3A_5 step %scan3A_6  : i32 {
      "tpu.region"() ({
        %run_scoped3A = tpu.sem_alloc : memref<!tpu.dma_semaphore, #tpu.memory_space<semaphore_mem>>
        %dma_start3A = arith.constant 0 : i32
        %dma_start3A_10 = tpu.memref_slice %arg8[%scan3A_9, %dma_start3A] : memref<79x128xi32, #tpu.memory_space<vmem>> -> memref<1x128xi32, #tpu.memory_space<vmem>>
        %dma_start3A_11 = tpu.memref_squeeze %dma_start3A_10 : memref<1x128xi32, #tpu.memory_space<vmem>> -> memref<128xi32, #tpu.memory_space<vmem>>
        %dma_start3A_12 = arith.constant 0 : i32
        %dma_start3A_13 = arith.constant 0 : i32
        %dma_start3A_14 = tpu.memref_slice %arg2[%dma_start3A_12, %dma_start3A_13] : memref<10000x16xf32, #tpu.memory_space<hbm>> -> memref<10000x16xf32, #tpu.memory_space<hbm>>
        tpu.enqueue_indirect_dma source(%dma_start3A_14 : memref<10000x16xf32, #tpu.memory_space<hbm>>) target(%arg10 : memref<128x16xf32, #tpu.memory_space<vmem>>) offsets(%dma_start3A_11 : memref<128xi32, #tpu.memory_space<vmem>>) semaphore(%run_scoped3A : memref<!tpu.dma_semaphore, #tpu.memory_space<semaphore_mem>>)
        %dma_wait3A = arith.constant 0 : i32
        %dma_wait3A_15 = tpu.memref_slice %arg8[%scan3A_9, %dma_wait3A] : memref<79x128xi32, #tpu.memory_space<vmem>> -> memref<1x128xi32, #tpu.memory_space<vmem>>
        %dma_wait3A_16 = tpu.memref_squeeze %dma_wait3A_15 : memref<1x128xi32, #tpu.memory_space<vmem>> -> memref<128xi32, #tpu.memory_space<vmem>>
        %dma_wait3A_17 = arith.constant 0 : i32
        %dma_wait3A_18 = arith.constant 0 : i32
        %dma_wait3A_19 = tpu.memref_slice %arg2[%dma_wait3A_17, %dma_wait3A_18] : memref<10000x16xf32, #tpu.memory_space<hbm>> -> memref<10000x16xf32, #tpu.memory_space<hbm>>
        tpu.wait_indirect_dma semaphore(%run_scoped3A : memref<!tpu.dma_semaphore, #tpu.memory_space<semaphore_mem>>) src(%dma_wait3A_19 : memref<10000x16xf32, #tpu.memory_space<hbm>>) dst(%arg10 : memref<128x16xf32, #tpu.memory_space<vmem>>)
        tpu.yield
      }) : () -> ()
      "tpu.region"() ({
        %run_scoped3A = tpu.sem_alloc : memref<!tpu.dma_semaphore, #tpu.memory_space<semaphore_mem>>
        %dma_start3A = arith.constant 0 : i32
        %dma_start3A_10 = tpu.memref_slice %arg9[%scan3A_9, %dma_start3A] : memref<79x128xi32, #tpu.memory_space<vmem>> -> memref<1x128xi32, #tpu.memory_space<vmem>>
        %dma_start3A_11 = tpu.memref_squeeze %dma_start3A_10 : memref<1x128xi32, #tpu.memory_space<vmem>> -> memref<128xi32, #tpu.memory_space<vmem>>
        %dma_start3A_12 = arith.constant 0 : i32
        %dma_start3A_13 = arith.constant 0 : i32
        %dma_start3A_14 = tpu.memref_slice %arg7[%dma_start3A_12, %dma_start3A_13] : memref<10112x16xf32, #tpu.memory_space<vmem_shared>> -> memref<10112x16xf32, #tpu.memory_space<vmem_shared>>
        tpu.enqueue_indirect_dma source(%arg10 : memref<128x16xf32, #tpu.memory_space<vmem>>) target(%dma_start3A_14 : memref<10112x16xf32, #tpu.memory_space<vmem_shared>>) offsets(%dma_start3A_11 : memref<128xi32, #tpu.memory_space<vmem>>) semaphore(%run_scoped3A : memref<!tpu.dma_semaphore, #tpu.memory_space<semaphore_mem>>) {add = true}
        %dma_wait3A = arith.constant 0 : i32
        %dma_wait3A_15 = tpu.memref_slice %arg9[%scan3A_9, %dma_wait3A] : memref<79x128xi32, #tpu.memory_space<vmem>> -> memref<1x128xi32, #tpu.memory_space<vmem>>
        %dma_wait3A_16 = tpu.memref_squeeze %dma_wait3A_15 : memref<1x128xi32, #tpu.memory_space<vmem>> -> memref<128xi32, #tpu.memory_space<vmem>>
        %dma_wait3A_17 = arith.constant 0 : i32
        %dma_wait3A_18 = arith.constant 0 : i32
        %dma_wait3A_19 = tpu.memref_slice %arg7[%dma_wait3A_17, %dma_wait3A_18] : memref<10112x16xf32, #tpu.memory_space<vmem_shared>> -> memref<10112x16xf32, #tpu.memory_space<vmem_shared>>
        tpu.wait_indirect_dma semaphore(%run_scoped3A : memref<!tpu.dma_semaphore, #tpu.memory_space<semaphore_mem>>) src(%arg10 : memref<128x16xf32, #tpu.memory_space<vmem>>) dst(%dma_wait3A_19 : memref<10112x16xf32, #tpu.memory_space<vmem_shared>>)
        tpu.yield
      }) : () -> ()
    }
    %scan3A_7 = arith.constant 79 : i32
    %barrier3A_8 = arith.constant 0 : index
    tpu.barrier barrier_id(%barrier3A_8)
    "tpu.region"() ({
      %run_scoped3A = tpu.sem_alloc : memref<!tpu.dma_semaphore, #tpu.memory_space<semaphore_mem>>
      %dma_start3A = arith.constant 0 : i32
      %dma_start3A_9 = tpu.memref_slice %arg6[%arg0, %mul3A_2, %dma_start3A] : memref<2x10112x16xf32, #tpu.memory_space<hbm>> -> memref<1x632x16xf32, #tpu.memory_space<hbm>>
      %dma_start3A_10 = tpu.memref_squeeze %dma_start3A_9 : memref<1x632x16xf32, #tpu.memory_space<hbm>> -> memref<632x16xf32, #tpu.memory_space<hbm>>
      %dma_start3A_11 = arith.constant 0 : i32
      %dma_start3A_12 = tpu.memref_slice %arg7[%mul3A_2, %dma_start3A_11] : memref<10112x16xf32, #tpu.memory_space<vmem_shared>> -> memref<632x16xf32, #tpu.memory_space<vmem_shared>>
      tpu.enqueue_dma source(%dma_start3A_12 : memref<632x16xf32, #tpu.memory_space<vmem_shared>>) target(%dma_start3A_10 : memref<632x16xf32, #tpu.memory_space<hbm>>) target_semaphore(%run_scoped3A : memref<!tpu.dma_semaphore, #tpu.memory_space<semaphore_mem>>)
      %dma_wait3A = arith.constant 0 : i32
      %dma_wait3A_13 = tpu.memref_slice %arg6[%arg0, %mul3A_2, %dma_wait3A] : memref<2x10112x16xf32, #tpu.memory_space<hbm>> -> memref<1x632x16xf32, #tpu.memory_space<hbm>>
      %dma_wait3A_14 = tpu.memref_squeeze %dma_wait3A_13 : memref<1x632x16xf32, #tpu.memory_space<hbm>> -> memref<632x16xf32, #tpu.memory_space<hbm>>
      %dma_wait3A_15 = arith.constant 0 : i32
      %dma_wait3A_16 = tpu.memref_slice %arg7[%mul3A_2, %dma_wait3A_15] : memref<10112x16xf32, #tpu.memory_space<vmem_shared>> -> memref<632x16xf32, #tpu.memory_space<vmem_shared>>
      tpu.wait_dma2 semaphore(%run_scoped3A : memref<!tpu.dma_semaphore, #tpu.memory_space<semaphore_mem>>) src(%dma_wait3A_16 : memref<632x16xf32, #tpu.memory_space<vmem_shared>>) dst(%dma_wait3A_14 : memref<632x16xf32, #tpu.memory_space<hbm>>)
      tpu.yield
    }) : () -> ()
    return
  }
}

#map = affine_map<(d0, d1) -> (0, 0)>
#map1 = affine_map<(d0, d1) -> (0, 0, 0)>
module attributes {stable_mosaic.version = 14 : i64} {
  func.func @prop(%arg0: i32, %arg1: i32, %arg2: memref<10000x128xf32, #tpu.memory_space<hbm>>, %arg3: memref<32x79x128xi32, #tpu.memory_space<hbm>>, %arg4: memref<32x79x128xi32, #tpu.memory_space<hbm>>, %arg5: memref<10112x128xf32, #tpu.memory_space<hbm>>, %arg6: memref<2x10112x128xf32, #tpu.memory_space<hbm>>, %arg7: memref<10112x128xf32, #tpu.memory_space<vmem_shared>>, %arg8: memref<79x128xi32, #tpu.memory_space<vmem>>, %arg9: memref<79x128xi32, #tpu.memory_space<vmem>>, %arg10: memref<128x128xf32, #tpu.memory_space<vmem>>) attributes {dimension_semantics = [#tpu.dimension_semantics<core_parallel>, #tpu.dimension_semantics<subcore_parallel>], iteration_bounds = array<i64: 2, 16>, scalar_prefetch = 0 : i64, scratch_operands = 4 : i64, tpu.core_type = #tpu.core_type<sc_vector_subcore>, window_params = [{transform_indices = #map}, {transform_indices = #map1}, {transform_indices = #map1}, {transform_indices = #map}, {transform_indices = #map1}]} {
    %mul3A = arith.constant 16 : i32
    %mul3A_0 = arith.muli %arg0, %mul3A : i32
    %add3A = arith.addi %mul3A_0, %arg1 : i32
    %mul3A_1 = arith.constant 632 : i32
    %mul3A_2 = arith.muli %arg1, %mul3A_1 : i32
    "tpu.region"() ({
      %run_scoped3A = tpu.sem_alloc : memref<!tpu.dma_semaphore, #tpu.memory_space<semaphore_mem>>
      %dma_start3A = arith.constant 0 : i32
      %dma_start3A_9 = tpu.memref_slice %arg7[%mul3A_2, %dma_start3A] : memref<10112x128xf32, #tpu.memory_space<vmem_shared>> -> memref<632x128xf32, #tpu.memory_space<vmem_shared>>
      %dma_start3A_10 = arith.constant 0 : i32
      %dma_start3A_11 = tpu.memref_slice %arg5[%mul3A_2, %dma_start3A_10] : memref<10112x128xf32, #tpu.memory_space<hbm>> -> memref<632x128xf32, #tpu.memory_space<hbm>>
      tpu.enqueue_dma source(%dma_start3A_11 : memref<632x128xf32, #tpu.memory_space<hbm>>) target(%dma_start3A_9 : memref<632x128xf32, #tpu.memory_space<vmem_shared>>) target_semaphore(%run_scoped3A : memref<!tpu.dma_semaphore, #tpu.memory_space<semaphore_mem>>)
      %dma_wait3A = arith.constant 0 : i32
      %dma_wait3A_12 = tpu.memref_slice %arg7[%mul3A_2, %dma_wait3A] : memref<10112x128xf32, #tpu.memory_space<vmem_shared>> -> memref<632x128xf32, #tpu.memory_space<vmem_shared>>
      %dma_wait3A_13 = arith.constant 0 : i32
      %dma_wait3A_14 = tpu.memref_slice %arg5[%mul3A_2, %dma_wait3A_13] : memref<10112x128xf32, #tpu.memory_space<hbm>> -> memref<632x128xf32, #tpu.memory_space<hbm>>
      tpu.wait_dma2 semaphore(%run_scoped3A : memref<!tpu.dma_semaphore, #tpu.memory_space<semaphore_mem>>) src(%dma_wait3A_14 : memref<632x128xf32, #tpu.memory_space<hbm>>) dst(%dma_wait3A_12 : memref<632x128xf32, #tpu.memory_space<vmem_shared>>)
      tpu.yield
    }) : () -> ()
    "tpu.region"() ({
      %run_scoped3A = tpu.sem_alloc : memref<!tpu.dma_semaphore, #tpu.memory_space<semaphore_mem>>
      %dma_start3A = arith.constant 0 : i32
      %dma_start3A_9 = arith.constant 0 : i32
      %dma_start3A_10 = tpu.memref_slice %arg3[%add3A, %dma_start3A, %dma_start3A_9] : memref<32x79x128xi32, #tpu.memory_space<hbm>> -> memref<1x79x128xi32, #tpu.memory_space<hbm>>
      %dma_start3A_11 = tpu.memref_squeeze %dma_start3A_10 : memref<1x79x128xi32, #tpu.memory_space<hbm>> -> memref<79x128xi32, #tpu.memory_space<hbm>>
      %dma_start3A_12 = arith.constant 0 : i32
      %dma_start3A_13 = arith.constant 0 : i32
      %dma_start3A_14 = tpu.memref_slice %arg3[%add3A, %dma_start3A_12, %dma_start3A_13] : memref<32x79x128xi32, #tpu.memory_space<hbm>> -> memref<1x79x128xi32, #tpu.memory_space<hbm>>
      %dma_start3A_15 = tpu.memref_squeeze %dma_start3A_14 : memref<1x79x128xi32, #tpu.memory_space<hbm>> -> memref<79x128xi32, #tpu.memory_space<hbm>>
      tpu.enqueue_dma source(%dma_start3A_15 : memref<79x128xi32, #tpu.memory_space<hbm>>) target(%arg8 : memref<79x128xi32, #tpu.memory_space<vmem>>) target_semaphore(%run_scoped3A : memref<!tpu.dma_semaphore, #tpu.memory_space<semaphore_mem>>)
      %dma_wait3A = arith.constant 0 : i32
      %dma_wait3A_16 = arith.constant 0 : i32
      %dma_wait3A_17 = tpu.memref_slice %arg3[%add3A, %dma_wait3A, %dma_wait3A_16] : memref<32x79x128xi32, #tpu.memory_space<hbm>> -> memref<1x79x128xi32, #tpu.memory_space<hbm>>
      %dma_wait3A_18 = tpu.memref_squeeze %dma_wait3A_17 : memref<1x79x128xi32, #tpu.memory_space<hbm>> -> memref<79x128xi32, #tpu.memory_space<hbm>>
      %dma_wait3A_19 = arith.constant 0 : i32
      %dma_wait3A_20 = arith.constant 0 : i32
      %dma_wait3A_21 = tpu.memref_slice %arg3[%add3A, %dma_wait3A_19, %dma_wait3A_20] : memref<32x79x128xi32, #tpu.memory_space<hbm>> -> memref<1x79x128xi32, #tpu.memory_space<hbm>>
      %dma_wait3A_22 = tpu.memref_squeeze %dma_wait3A_21 : memref<1x79x128xi32, #tpu.memory_space<hbm>> -> memref<79x128xi32, #tpu.memory_space<hbm>>
      tpu.wait_dma2 semaphore(%run_scoped3A : memref<!tpu.dma_semaphore, #tpu.memory_space<semaphore_mem>>) src(%dma_wait3A_22 : memref<79x128xi32, #tpu.memory_space<hbm>>) dst(%arg8 : memref<79x128xi32, #tpu.memory_space<vmem>>)
      tpu.yield
    }) : () -> ()
    "tpu.region"() ({
      %run_scoped3A = tpu.sem_alloc : memref<!tpu.dma_semaphore, #tpu.memory_space<semaphore_mem>>
      %dma_start3A = arith.constant 0 : i32
      %dma_start3A_9 = arith.constant 0 : i32
      %dma_start3A_10 = tpu.memref_slice %arg4[%add3A, %dma_start3A, %dma_start3A_9] : memref<32x79x128xi32, #tpu.memory_space<hbm>> -> memref<1x79x128xi32, #tpu.memory_space<hbm>>
      %dma_start3A_11 = tpu.memref_squeeze %dma_start3A_10 : memref<1x79x128xi32, #tpu.memory_space<hbm>> -> memref<79x128xi32, #tpu.memory_space<hbm>>
      %dma_start3A_12 = arith.constant 0 : i32
      %dma_start3A_13 = arith.constant 0 : i32
      %dma_start3A_14 = tpu.memref_slice %arg4[%add3A, %dma_start3A_12, %dma_start3A_13] : memref<32x79x128xi32, #tpu.memory_space<hbm>> -> memref<1x79x128xi32, #tpu.memory_space<hbm>>
      %dma_start3A_15 = tpu.memref_squeeze %dma_start3A_14 : memref<1x79x128xi32, #tpu.memory_space<hbm>> -> memref<79x128xi32, #tpu.memory_space<hbm>>
      tpu.enqueue_dma source(%dma_start3A_15 : memref<79x128xi32, #tpu.memory_space<hbm>>) target(%arg9 : memref<79x128xi32, #tpu.memory_space<vmem>>) target_semaphore(%run_scoped3A : memref<!tpu.dma_semaphore, #tpu.memory_space<semaphore_mem>>)
      %dma_wait3A = arith.constant 0 : i32
      %dma_wait3A_16 = arith.constant 0 : i32
      %dma_wait3A_17 = tpu.memref_slice %arg4[%add3A, %dma_wait3A, %dma_wait3A_16] : memref<32x79x128xi32, #tpu.memory_space<hbm>> -> memref<1x79x128xi32, #tpu.memory_space<hbm>>
      %dma_wait3A_18 = tpu.memref_squeeze %dma_wait3A_17 : memref<1x79x128xi32, #tpu.memory_space<hbm>> -> memref<79x128xi32, #tpu.memory_space<hbm>>
      %dma_wait3A_19 = arith.constant 0 : i32
      %dma_wait3A_20 = arith.constant 0 : i32
      %dma_wait3A_21 = tpu.memref_slice %arg4[%add3A, %dma_wait3A_19, %dma_wait3A_20] : memref<32x79x128xi32, #tpu.memory_space<hbm>> -> memref<1x79x128xi32, #tpu.memory_space<hbm>>
      %dma_wait3A_22 = tpu.memref_squeeze %dma_wait3A_21 : memref<1x79x128xi32, #tpu.memory_space<hbm>> -> memref<79x128xi32, #tpu.memory_space<hbm>>
      tpu.wait_dma2 semaphore(%run_scoped3A : memref<!tpu.dma_semaphore, #tpu.memory_space<semaphore_mem>>) src(%dma_wait3A_22 : memref<79x128xi32, #tpu.memory_space<hbm>>) dst(%arg9 : memref<79x128xi32, #tpu.memory_space<vmem>>)
      tpu.yield
    }) : () -> ()
    %barrier3A = arith.constant 0 : index
    tpu.barrier barrier_id(%barrier3A)
    %scan3A = arith.constant 0 : i32
    %scan3A_3 = arith.constant 0 : i32
    %scan3A_4 = arith.constant 79 : i32
    %scan3A_5 = arith.addi %scan3A_3, %scan3A_4 : i32
    %scan3A_6 = arith.constant 1 : i32
    scf.for %scan3A_9 = %scan3A_3 to %scan3A_5 step %scan3A_6  : i32 {
      "tpu.region"() ({
        %run_scoped3A = tpu.sem_alloc : memref<!tpu.dma_semaphore, #tpu.memory_space<semaphore_mem>>
        %dma_start3A = arith.constant 0 : i32
        %dma_start3A_10 = tpu.memref_slice %arg8[%scan3A_9, %dma_start3A] : memref<79x128xi32, #tpu.memory_space<vmem>> -> memref<1x128xi32, #tpu.memory_space<vmem>>
        %dma_start3A_11 = tpu.memref_squeeze %dma_start3A_10 : memref<1x128xi32, #tpu.memory_space<vmem>> -> memref<128xi32, #tpu.memory_space<vmem>>
        %dma_start3A_12 = arith.constant 0 : i32
        %dma_start3A_13 = arith.constant 0 : i32
        %dma_start3A_14 = tpu.memref_slice %arg2[%dma_start3A_12, %dma_start3A_13] : memref<10000x128xf32, #tpu.memory_space<hbm>> -> memref<10000x128xf32, #tpu.memory_space<hbm>>
        tpu.enqueue_indirect_dma source(%dma_start3A_14 : memref<10000x128xf32, #tpu.memory_space<hbm>>) target(%arg10 : memref<128x128xf32, #tpu.memory_space<vmem>>) offsets(%dma_start3A_11 : memref<128xi32, #tpu.memory_space<vmem>>) semaphore(%run_scoped3A : memref<!tpu.dma_semaphore, #tpu.memory_space<semaphore_mem>>)
        %dma_wait3A = arith.constant 0 : i32
        %dma_wait3A_15 = tpu.memref_slice %arg8[%scan3A_9, %dma_wait3A] : memref<79x128xi32, #tpu.memory_space<vmem>> -> memref<1x128xi32, #tpu.memory_space<vmem>>
        %dma_wait3A_16 = tpu.memref_squeeze %dma_wait3A_15 : memref<1x128xi32, #tpu.memory_space<vmem>> -> memref<128xi32, #tpu.memory_space<vmem>>
        %dma_wait3A_17 = arith.constant 0 : i32
        %dma_wait3A_18 = arith.constant 0 : i32
        %dma_wait3A_19 = tpu.memref_slice %arg2[%dma_wait3A_17, %dma_wait3A_18] : memref<10000x128xf32, #tpu.memory_space<hbm>> -> memref<10000x128xf32, #tpu.memory_space<hbm>>
        tpu.wait_indirect_dma semaphore(%run_scoped3A : memref<!tpu.dma_semaphore, #tpu.memory_space<semaphore_mem>>) src(%dma_wait3A_19 : memref<10000x128xf32, #tpu.memory_space<hbm>>) dst(%arg10 : memref<128x128xf32, #tpu.memory_space<vmem>>)
        tpu.yield
      }) : () -> ()
      "tpu.region"() ({
        %run_scoped3A = tpu.sem_alloc : memref<!tpu.dma_semaphore, #tpu.memory_space<semaphore_mem>>
        %dma_start3A = arith.constant 0 : i32
        %dma_start3A_10 = tpu.memref_slice %arg9[%scan3A_9, %dma_start3A] : memref<79x128xi32, #tpu.memory_space<vmem>> -> memref<1x128xi32, #tpu.memory_space<vmem>>
        %dma_start3A_11 = tpu.memref_squeeze %dma_start3A_10 : memref<1x128xi32, #tpu.memory_space<vmem>> -> memref<128xi32, #tpu.memory_space<vmem>>
        %dma_start3A_12 = arith.constant 0 : i32
        %dma_start3A_13 = arith.constant 0 : i32
        %dma_start3A_14 = tpu.memref_slice %arg7[%dma_start3A_12, %dma_start3A_13] : memref<10112x128xf32, #tpu.memory_space<vmem_shared>> -> memref<10112x128xf32, #tpu.memory_space<vmem_shared>>
        tpu.enqueue_indirect_dma source(%arg10 : memref<128x128xf32, #tpu.memory_space<vmem>>) target(%dma_start3A_14 : memref<10112x128xf32, #tpu.memory_space<vmem_shared>>) offsets(%dma_start3A_11 : memref<128xi32, #tpu.memory_space<vmem>>) semaphore(%run_scoped3A : memref<!tpu.dma_semaphore, #tpu.memory_space<semaphore_mem>>) {add = true}
        %dma_wait3A = arith.constant 0 : i32
        %dma_wait3A_15 = tpu.memref_slice %arg9[%scan3A_9, %dma_wait3A] : memref<79x128xi32, #tpu.memory_space<vmem>> -> memref<1x128xi32, #tpu.memory_space<vmem>>
        %dma_wait3A_16 = tpu.memref_squeeze %dma_wait3A_15 : memref<1x128xi32, #tpu.memory_space<vmem>> -> memref<128xi32, #tpu.memory_space<vmem>>
        %dma_wait3A_17 = arith.constant 0 : i32
        %dma_wait3A_18 = arith.constant 0 : i32
        %dma_wait3A_19 = tpu.memref_slice %arg7[%dma_wait3A_17, %dma_wait3A_18] : memref<10112x128xf32, #tpu.memory_space<vmem_shared>> -> memref<10112x128xf32, #tpu.memory_space<vmem_shared>>
        tpu.wait_indirect_dma semaphore(%run_scoped3A : memref<!tpu.dma_semaphore, #tpu.memory_space<semaphore_mem>>) src(%arg10 : memref<128x128xf32, #tpu.memory_space<vmem>>) dst(%dma_wait3A_19 : memref<10112x128xf32, #tpu.memory_space<vmem_shared>>)
        tpu.yield
      }) : () -> ()
    }
    %scan3A_7 = arith.constant 79 : i32
    %barrier3A_8 = arith.constant 0 : index
    tpu.barrier barrier_id(%barrier3A_8)
    "tpu.region"() ({
      %run_scoped3A = tpu.sem_alloc : memref<!tpu.dma_semaphore, #tpu.memory_space<semaphore_mem>>
      %dma_start3A = arith.constant 0 : i32
      %dma_start3A_9 = tpu.memref_slice %arg6[%arg0, %mul3A_2, %dma_start3A] : memref<2x10112x128xf32, #tpu.memory_space<hbm>> -> memref<1x632x128xf32, #tpu.memory_space<hbm>>
      %dma_start3A_10 = tpu.memref_squeeze %dma_start3A_9 : memref<1x632x128xf32, #tpu.memory_space<hbm>> -> memref<632x128xf32, #tpu.memory_space<hbm>>
      %dma_start3A_11 = arith.constant 0 : i32
      %dma_start3A_12 = tpu.memref_slice %arg7[%mul3A_2, %dma_start3A_11] : memref<10112x128xf32, #tpu.memory_space<vmem_shared>> -> memref<632x128xf32, #tpu.memory_space<vmem_shared>>
      tpu.enqueue_dma source(%dma_start3A_12 : memref<632x128xf32, #tpu.memory_space<vmem_shared>>) target(%dma_start3A_10 : memref<632x128xf32, #tpu.memory_space<hbm>>) target_semaphore(%run_scoped3A : memref<!tpu.dma_semaphore, #tpu.memory_space<semaphore_mem>>)
      %dma_wait3A = arith.constant 0 : i32
      %dma_wait3A_13 = tpu.memref_slice %arg6[%arg0, %mul3A_2, %dma_wait3A] : memref<2x10112x128xf32, #tpu.memory_space<hbm>> -> memref<1x632x128xf32, #tpu.memory_space<hbm>>
      %dma_wait3A_14 = tpu.memref_squeeze %dma_wait3A_13 : memref<1x632x128xf32, #tpu.memory_space<hbm>> -> memref<632x128xf32, #tpu.memory_space<hbm>>
      %dma_wait3A_15 = arith.constant 0 : i32
      %dma_wait3A_16 = tpu.memref_slice %arg7[%mul3A_2, %dma_wait3A_15] : memref<10112x128xf32, #tpu.memory_space<vmem_shared>> -> memref<632x128xf32, #tpu.memory_space<vmem_shared>>
      tpu.wait_dma2 semaphore(%run_scoped3A : memref<!tpu.dma_semaphore, #tpu.memory_space<semaphore_mem>>) src(%dma_wait3A_16 : memref<632x128xf32, #tpu.memory_space<vmem_shared>>) dst(%dma_wait3A_14 : memref<632x128xf32, #tpu.memory_space<hbm>>)
      tpu.yield
    }) : () -> ()
    return
  }
}

#map = affine_map<(d0, d1) -> (0, 0)>
#map1 = affine_map<(d0, d1) -> (0, 0, 0)>
module attributes {stable_mosaic.version = 14 : i64} {
  func.func @prop(%arg0: i32, %arg1: i32, %arg2: memref<10000x128xf32, #tpu.memory_space<hbm>>, %arg3: memref<32x79x128xi32, #tpu.memory_space<hbm>>, %arg4: memref<32x79x128xi32, #tpu.memory_space<hbm>>, %arg5: memref<10112x128xf32, #tpu.memory_space<hbm>>, %arg6: memref<2x10112x128xf32, #tpu.memory_space<hbm>>, %arg7: memref<10112x128xf32, #tpu.memory_space<vmem_shared>>, %arg8: memref<79x128xi32, #tpu.memory_space<vmem>>, %arg9: memref<79x128xi32, #tpu.memory_space<vmem>>, %arg10: memref<128x128xf32, #tpu.memory_space<vmem>>) attributes {dimension_semantics = [#tpu.dimension_semantics<core_parallel>, #tpu.dimension_semantics<subcore_parallel>], iteration_bounds = array<i64: 2, 16>, scalar_prefetch = 0 : i64, scratch_operands = 4 : i64, tpu.core_type = #tpu.core_type<sc_vector_subcore>, window_params = [{transform_indices = #map}, {transform_indices = #map1}, {transform_indices = #map1}, {transform_indices = #map}, {transform_indices = #map1}]} {
    %mul3A = arith.constant 16 : i32
    %mul3A_0 = arith.muli %arg0, %mul3A : i32
    %add3A = arith.addi %mul3A_0, %arg1 : i32
    %mul3A_1 = arith.constant 632 : i32
    %mul3A_2 = arith.muli %arg1, %mul3A_1 : i32
    "tpu.region"() ({
      %run_scoped3A = tpu.sem_alloc : memref<!tpu.dma_semaphore, #tpu.memory_space<semaphore_mem>>
      %dma_start3A = arith.constant 0 : i32
      %dma_start3A_9 = tpu.memref_slice %arg7[%mul3A_2, %dma_start3A] : memref<10112x128xf32, #tpu.memory_space<vmem_shared>> -> memref<632x128xf32, #tpu.memory_space<vmem_shared>>
      %dma_start3A_10 = arith.constant 0 : i32
      %dma_start3A_11 = tpu.memref_slice %arg5[%mul3A_2, %dma_start3A_10] : memref<10112x128xf32, #tpu.memory_space<hbm>> -> memref<632x128xf32, #tpu.memory_space<hbm>>
      tpu.enqueue_dma source(%dma_start3A_11 : memref<632x128xf32, #tpu.memory_space<hbm>>) target(%dma_start3A_9 : memref<632x128xf32, #tpu.memory_space<vmem_shared>>) target_semaphore(%run_scoped3A : memref<!tpu.dma_semaphore, #tpu.memory_space<semaphore_mem>>)
      %dma_wait3A = arith.constant 0 : i32
      %dma_wait3A_12 = tpu.memref_slice %arg7[%mul3A_2, %dma_wait3A] : memref<10112x128xf32, #tpu.memory_space<vmem_shared>> -> memref<632x128xf32, #tpu.memory_space<vmem_shared>>
      %dma_wait3A_13 = arith.constant 0 : i32
      %dma_wait3A_14 = tpu.memref_slice %arg5[%mul3A_2, %dma_wait3A_13] : memref<10112x128xf32, #tpu.memory_space<hbm>> -> memref<632x128xf32, #tpu.memory_space<hbm>>
      tpu.wait_dma2 semaphore(%run_scoped3A : memref<!tpu.dma_semaphore, #tpu.memory_space<semaphore_mem>>) src(%dma_wait3A_14 : memref<632x128xf32, #tpu.memory_space<hbm>>) dst(%dma_wait3A_12 : memref<632x128xf32, #tpu.memory_space<vmem_shared>>)
      tpu.yield
    }) : () -> ()
    "tpu.region"() ({
      %run_scoped3A = tpu.sem_alloc : memref<!tpu.dma_semaphore, #tpu.memory_space<semaphore_mem>>
      %dma_start3A = arith.constant 0 : i32
      %dma_start3A_9 = arith.constant 0 : i32
      %dma_start3A_10 = tpu.memref_slice %arg3[%add3A, %dma_start3A, %dma_start3A_9] : memref<32x79x128xi32, #tpu.memory_space<hbm>> -> memref<1x79x128xi32, #tpu.memory_space<hbm>>
      %dma_start3A_11 = tpu.memref_squeeze %dma_start3A_10 : memref<1x79x128xi32, #tpu.memory_space<hbm>> -> memref<79x128xi32, #tpu.memory_space<hbm>>
      %dma_start3A_12 = arith.constant 0 : i32
      %dma_start3A_13 = arith.constant 0 : i32
      %dma_start3A_14 = tpu.memref_slice %arg3[%add3A, %dma_start3A_12, %dma_start3A_13] : memref<32x79x128xi32, #tpu.memory_space<hbm>> -> memref<1x79x128xi32, #tpu.memory_space<hbm>>
      %dma_start3A_15 = tpu.memref_squeeze %dma_start3A_14 : memref<1x79x128xi32, #tpu.memory_space<hbm>> -> memref<79x128xi32, #tpu.memory_space<hbm>>
      tpu.enqueue_dma source(%dma_start3A_15 : memref<79x128xi32, #tpu.memory_space<hbm>>) target(%arg8 : memref<79x128xi32, #tpu.memory_space<vmem>>) target_semaphore(%run_scoped3A : memref<!tpu.dma_semaphore, #tpu.memory_space<semaphore_mem>>)
      %dma_wait3A = arith.constant 0 : i32
      %dma_wait3A_16 = arith.constant 0 : i32
      %dma_wait3A_17 = tpu.memref_slice %arg3[%add3A, %dma_wait3A, %dma_wait3A_16] : memref<32x79x128xi32, #tpu.memory_space<hbm>> -> memref<1x79x128xi32, #tpu.memory_space<hbm>>
      %dma_wait3A_18 = tpu.memref_squeeze %dma_wait3A_17 : memref<1x79x128xi32, #tpu.memory_space<hbm>> -> memref<79x128xi32, #tpu.memory_space<hbm>>
      %dma_wait3A_19 = arith.constant 0 : i32
      %dma_wait3A_20 = arith.constant 0 : i32
      %dma_wait3A_21 = tpu.memref_slice %arg3[%add3A, %dma_wait3A_19, %dma_wait3A_20] : memref<32x79x128xi32, #tpu.memory_space<hbm>> -> memref<1x79x128xi32, #tpu.memory_space<hbm>>
      %dma_wait3A_22 = tpu.memref_squeeze %dma_wait3A_21 : memref<1x79x128xi32, #tpu.memory_space<hbm>> -> memref<79x128xi32, #tpu.memory_space<hbm>>
      tpu.wait_dma2 semaphore(%run_scoped3A : memref<!tpu.dma_semaphore, #tpu.memory_space<semaphore_mem>>) src(%dma_wait3A_22 : memref<79x128xi32, #tpu.memory_space<hbm>>) dst(%arg8 : memref<79x128xi32, #tpu.memory_space<vmem>>)
      tpu.yield
    }) : () -> ()
    "tpu.region"() ({
      %run_scoped3A = tpu.sem_alloc : memref<!tpu.dma_semaphore, #tpu.memory_space<semaphore_mem>>
      %dma_start3A = arith.constant 0 : i32
      %dma_start3A_9 = arith.constant 0 : i32
      %dma_start3A_10 = tpu.memref_slice %arg4[%add3A, %dma_start3A, %dma_start3A_9] : memref<32x79x128xi32, #tpu.memory_space<hbm>> -> memref<1x79x128xi32, #tpu.memory_space<hbm>>
      %dma_start3A_11 = tpu.memref_squeeze %dma_start3A_10 : memref<1x79x128xi32, #tpu.memory_space<hbm>> -> memref<79x128xi32, #tpu.memory_space<hbm>>
      %dma_start3A_12 = arith.constant 0 : i32
      %dma_start3A_13 = arith.constant 0 : i32
      %dma_start3A_14 = tpu.memref_slice %arg4[%add3A, %dma_start3A_12, %dma_start3A_13] : memref<32x79x128xi32, #tpu.memory_space<hbm>> -> memref<1x79x128xi32, #tpu.memory_space<hbm>>
      %dma_start3A_15 = tpu.memref_squeeze %dma_start3A_14 : memref<1x79x128xi32, #tpu.memory_space<hbm>> -> memref<79x128xi32, #tpu.memory_space<hbm>>
      tpu.enqueue_dma source(%dma_start3A_15 : memref<79x128xi32, #tpu.memory_space<hbm>>) target(%arg9 : memref<79x128xi32, #tpu.memory_space<vmem>>) target_semaphore(%run_scoped3A : memref<!tpu.dma_semaphore, #tpu.memory_space<semaphore_mem>>)
      %dma_wait3A = arith.constant 0 : i32
      %dma_wait3A_16 = arith.constant 0 : i32
      %dma_wait3A_17 = tpu.memref_slice %arg4[%add3A, %dma_wait3A, %dma_wait3A_16] : memref<32x79x128xi32, #tpu.memory_space<hbm>> -> memref<1x79x128xi32, #tpu.memory_space<hbm>>
      %dma_wait3A_18 = tpu.memref_squeeze %dma_wait3A_17 : memref<1x79x128xi32, #tpu.memory_space<hbm>> -> memref<79x128xi32, #tpu.memory_space<hbm>>
      %dma_wait3A_19 = arith.constant 0 : i32
      %dma_wait3A_20 = arith.constant 0 : i32
      %dma_wait3A_21 = tpu.memref_slice %arg4[%add3A, %dma_wait3A_19, %dma_wait3A_20] : memref<32x79x128xi32, #tpu.memory_space<hbm>> -> memref<1x79x128xi32, #tpu.memory_space<hbm>>
      %dma_wait3A_22 = tpu.memref_squeeze %dma_wait3A_21 : memref<1x79x128xi32, #tpu.memory_space<hbm>> -> memref<79x128xi32, #tpu.memory_space<hbm>>
      tpu.wait_dma2 semaphore(%run_scoped3A : memref<!tpu.dma_semaphore, #tpu.memory_space<semaphore_mem>>) src(%dma_wait3A_22 : memref<79x128xi32, #tpu.memory_space<hbm>>) dst(%arg9 : memref<79x128xi32, #tpu.memory_space<vmem>>)
      tpu.yield
    }) : () -> ()
    %barrier3A = arith.constant 0 : index
    tpu.barrier barrier_id(%barrier3A)
    %scan3A = arith.constant 0 : i32
    %scan3A_3 = arith.constant 0 : i32
    %scan3A_4 = arith.constant 79 : i32
    %scan3A_5 = arith.addi %scan3A_3, %scan3A_4 : i32
    %scan3A_6 = arith.constant 1 : i32
    scf.for %scan3A_9 = %scan3A_3 to %scan3A_5 step %scan3A_6  : i32 {
      "tpu.region"() ({
        %run_scoped3A = tpu.sem_alloc : memref<!tpu.dma_semaphore, #tpu.memory_space<semaphore_mem>>
        %dma_start3A = arith.constant 0 : i32
        %dma_start3A_10 = tpu.memref_slice %arg8[%scan3A_9, %dma_start3A] : memref<79x128xi32, #tpu.memory_space<vmem>> -> memref<1x128xi32, #tpu.memory_space<vmem>>
        %dma_start3A_11 = tpu.memref_squeeze %dma_start3A_10 : memref<1x128xi32, #tpu.memory_space<vmem>> -> memref<128xi32, #tpu.memory_space<vmem>>
        %dma_start3A_12 = arith.constant 0 : i32
        %dma_start3A_13 = arith.constant 0 : i32
        %dma_start3A_14 = tpu.memref_slice %arg2[%dma_start3A_12, %dma_start3A_13] : memref<10000x128xf32, #tpu.memory_space<hbm>> -> memref<10000x128xf32, #tpu.memory_space<hbm>>
        tpu.enqueue_indirect_dma source(%dma_start3A_14 : memref<10000x128xf32, #tpu.memory_space<hbm>>) target(%arg10 : memref<128x128xf32, #tpu.memory_space<vmem>>) offsets(%dma_start3A_11 : memref<128xi32, #tpu.memory_space<vmem>>) semaphore(%run_scoped3A : memref<!tpu.dma_semaphore, #tpu.memory_space<semaphore_mem>>)
        %dma_wait3A = arith.constant 0 : i32
        %dma_wait3A_15 = tpu.memref_slice %arg8[%scan3A_9, %dma_wait3A] : memref<79x128xi32, #tpu.memory_space<vmem>> -> memref<1x128xi32, #tpu.memory_space<vmem>>
        %dma_wait3A_16 = tpu.memref_squeeze %dma_wait3A_15 : memref<1x128xi32, #tpu.memory_space<vmem>> -> memref<128xi32, #tpu.memory_space<vmem>>
        %dma_wait3A_17 = arith.constant 0 : i32
        %dma_wait3A_18 = arith.constant 0 : i32
        %dma_wait3A_19 = tpu.memref_slice %arg2[%dma_wait3A_17, %dma_wait3A_18] : memref<10000x128xf32, #tpu.memory_space<hbm>> -> memref<10000x128xf32, #tpu.memory_space<hbm>>
        tpu.wait_indirect_dma semaphore(%run_scoped3A : memref<!tpu.dma_semaphore, #tpu.memory_space<semaphore_mem>>) src(%dma_wait3A_19 : memref<10000x128xf32, #tpu.memory_space<hbm>>) dst(%arg10 : memref<128x128xf32, #tpu.memory_space<vmem>>)
        tpu.yield
      }) : () -> ()
      "tpu.region"() ({
        %run_scoped3A = tpu.sem_alloc : memref<!tpu.dma_semaphore, #tpu.memory_space<semaphore_mem>>
        %dma_start3A = arith.constant 0 : i32
        %dma_start3A_10 = tpu.memref_slice %arg9[%scan3A_9, %dma_start3A] : memref<79x128xi32, #tpu.memory_space<vmem>> -> memref<1x128xi32, #tpu.memory_space<vmem>>
        %dma_start3A_11 = tpu.memref_squeeze %dma_start3A_10 : memref<1x128xi32, #tpu.memory_space<vmem>> -> memref<128xi32, #tpu.memory_space<vmem>>
        %dma_start3A_12 = arith.constant 0 : i32
        %dma_start3A_13 = arith.constant 0 : i32
        %dma_start3A_14 = tpu.memref_slice %arg7[%dma_start3A_12, %dma_start3A_13] : memref<10112x128xf32, #tpu.memory_space<vmem_shared>> -> memref<10112x128xf32, #tpu.memory_space<vmem_shared>>
        tpu.enqueue_indirect_dma source(%arg10 : memref<128x128xf32, #tpu.memory_space<vmem>>) target(%dma_start3A_14 : memref<10112x128xf32, #tpu.memory_space<vmem_shared>>) offsets(%dma_start3A_11 : memref<128xi32, #tpu.memory_space<vmem>>) semaphore(%run_scoped3A : memref<!tpu.dma_semaphore, #tpu.memory_space<semaphore_mem>>) {add = true}
        %dma_wait3A = arith.constant 0 : i32
        %dma_wait3A_15 = tpu.memref_slice %arg9[%scan3A_9, %dma_wait3A] : memref<79x128xi32, #tpu.memory_space<vmem>> -> memref<1x128xi32, #tpu.memory_space<vmem>>
        %dma_wait3A_16 = tpu.memref_squeeze %dma_wait3A_15 : memref<1x128xi32, #tpu.memory_space<vmem>> -> memref<128xi32, #tpu.memory_space<vmem>>
        %dma_wait3A_17 = arith.constant 0 : i32
        %dma_wait3A_18 = arith.constant 0 : i32
        %dma_wait3A_19 = tpu.memref_slice %arg7[%dma_wait3A_17, %dma_wait3A_18] : memref<10112x128xf32, #tpu.memory_space<vmem_shared>> -> memref<10112x128xf32, #tpu.memory_space<vmem_shared>>
        tpu.wait_indirect_dma semaphore(%run_scoped3A : memref<!tpu.dma_semaphore, #tpu.memory_space<semaphore_mem>>) src(%arg10 : memref<128x128xf32, #tpu.memory_space<vmem>>) dst(%dma_wait3A_19 : memref<10112x128xf32, #tpu.memory_space<vmem_shared>>)
        tpu.yield
      }) : () -> ()
    }
    %scan3A_7 = arith.constant 79 : i32
    %barrier3A_8 = arith.constant 0 : index
    tpu.barrier barrier_id(%barrier3A_8)
    "tpu.region"() ({
      %run_scoped3A = tpu.sem_alloc : memref<!tpu.dma_semaphore, #tpu.memory_space<semaphore_mem>>
      %dma_start3A = arith.constant 0 : i32
      %dma_start3A_9 = tpu.memref_slice %arg6[%arg0, %mul3A_2, %dma_start3A] : memref<2x10112x128xf32, #tpu.memory_space<hbm>> -> memref<1x632x128xf32, #tpu.memory_space<hbm>>
      %dma_start3A_10 = tpu.memref_squeeze %dma_start3A_9 : memref<1x632x128xf32, #tpu.memory_space<hbm>> -> memref<632x128xf32, #tpu.memory_space<hbm>>
      %dma_start3A_11 = arith.constant 0 : i32
      %dma_start3A_12 = tpu.memref_slice %arg7[%mul3A_2, %dma_start3A_11] : memref<10112x128xf32, #tpu.memory_space<vmem_shared>> -> memref<632x128xf32, #tpu.memory_space<vmem_shared>>
      tpu.enqueue_dma source(%dma_start3A_12 : memref<632x128xf32, #tpu.memory_space<vmem_shared>>) target(%dma_start3A_10 : memref<632x128xf32, #tpu.memory_space<hbm>>) target_semaphore(%run_scoped3A : memref<!tpu.dma_semaphore, #tpu.memory_space<semaphore_mem>>)
      %dma_wait3A = arith.constant 0 : i32
      %dma_wait3A_13 = tpu.memref_slice %arg6[%arg0, %mul3A_2, %dma_wait3A] : memref<2x10112x128xf32, #tpu.memory_space<hbm>> -> memref<1x632x128xf32, #tpu.memory_space<hbm>>
      %dma_wait3A_14 = tpu.memref_squeeze %dma_wait3A_13 : memref<1x632x128xf32, #tpu.memory_space<hbm>> -> memref<632x128xf32, #tpu.memory_space<hbm>>
      %dma_wait3A_15 = arith.constant 0 : i32
      %dma_wait3A_16 = tpu.memref_slice %arg7[%mul3A_2, %dma_wait3A_15] : memref<10112x128xf32, #tpu.memory_space<vmem_shared>> -> memref<632x128xf32, #tpu.memory_space<vmem_shared>>
      tpu.wait_dma2 semaphore(%run_scoped3A : memref<!tpu.dma_semaphore, #tpu.memory_space<semaphore_mem>>) src(%dma_wait3A_16 : memref<632x128xf32, #tpu.memory_space<vmem_shared>>) dst(%dma_wait3A_14 : memref<632x128xf32, #tpu.memory_space<hbm>>)
      tpu.yield
    }) : () -> ()
    return
  }
}

#map = affine_map<(d0, d1) -> (0, 0)>
#map1 = affine_map<(d0, d1) -> (0, 0, 0)>
module attributes {stable_mosaic.version = 14 : i64} {
  func.func @prop(%arg0: i32, %arg1: i32, %arg2: memref<10000x16xf32, #tpu.memory_space<hbm>>, %arg3: memref<32x79x128xi32, #tpu.memory_space<hbm>>, %arg4: memref<32x79x128xi32, #tpu.memory_space<hbm>>, %arg5: memref<10112x16xf32, #tpu.memory_space<hbm>>, %arg6: memref<2x10112x16xf32, #tpu.memory_space<hbm>>, %arg7: memref<10112x16xf32, #tpu.memory_space<vmem_shared>>, %arg8: memref<79x128xi32, #tpu.memory_space<vmem>>, %arg9: memref<79x128xi32, #tpu.memory_space<vmem>>, %arg10: memref<128x16xf32, #tpu.memory_space<vmem>>) attributes {dimension_semantics = [#tpu.dimension_semantics<core_parallel>, #tpu.dimension_semantics<subcore_parallel>], iteration_bounds = array<i64: 2, 16>, scalar_prefetch = 0 : i64, scratch_operands = 4 : i64, tpu.core_type = #tpu.core_type<sc_vector_subcore>, window_params = [{transform_indices = #map}, {transform_indices = #map1}, {transform_indices = #map1}, {transform_indices = #map}, {transform_indices = #map1}]} {
    %mul3A = arith.constant 16 : i32
    %mul3A_0 = arith.muli %arg0, %mul3A : i32
    %add3A = arith.addi %mul3A_0, %arg1 : i32
    %mul3A_1 = arith.constant 632 : i32
    %mul3A_2 = arith.muli %arg1, %mul3A_1 : i32
    "tpu.region"() ({
      %run_scoped3A = tpu.sem_alloc : memref<!tpu.dma_semaphore, #tpu.memory_space<semaphore_mem>>
      %dma_start3A = arith.constant 0 : i32
      %dma_start3A_9 = tpu.memref_slice %arg7[%mul3A_2, %dma_start3A] : memref<10112x16xf32, #tpu.memory_space<vmem_shared>> -> memref<632x16xf32, #tpu.memory_space<vmem_shared>>
      %dma_start3A_10 = arith.constant 0 : i32
      %dma_start3A_11 = tpu.memref_slice %arg5[%mul3A_2, %dma_start3A_10] : memref<10112x16xf32, #tpu.memory_space<hbm>> -> memref<632x16xf32, #tpu.memory_space<hbm>>
      tpu.enqueue_dma source(%dma_start3A_11 : memref<632x16xf32, #tpu.memory_space<hbm>>) target(%dma_start3A_9 : memref<632x16xf32, #tpu.memory_space<vmem_shared>>) target_semaphore(%run_scoped3A : memref<!tpu.dma_semaphore, #tpu.memory_space<semaphore_mem>>)
      %dma_wait3A = arith.constant 0 : i32
      %dma_wait3A_12 = tpu.memref_slice %arg7[%mul3A_2, %dma_wait3A] : memref<10112x16xf32, #tpu.memory_space<vmem_shared>> -> memref<632x16xf32, #tpu.memory_space<vmem_shared>>
      %dma_wait3A_13 = arith.constant 0 : i32
      %dma_wait3A_14 = tpu.memref_slice %arg5[%mul3A_2, %dma_wait3A_13] : memref<10112x16xf32, #tpu.memory_space<hbm>> -> memref<632x16xf32, #tpu.memory_space<hbm>>
      tpu.wait_dma2 semaphore(%run_scoped3A : memref<!tpu.dma_semaphore, #tpu.memory_space<semaphore_mem>>) src(%dma_wait3A_14 : memref<632x16xf32, #tpu.memory_space<hbm>>) dst(%dma_wait3A_12 : memref<632x16xf32, #tpu.memory_space<vmem_shared>>)
      tpu.yield
    }) : () -> ()
    "tpu.region"() ({
      %run_scoped3A = tpu.sem_alloc : memref<!tpu.dma_semaphore, #tpu.memory_space<semaphore_mem>>
      %dma_start3A = arith.constant 0 : i32
      %dma_start3A_9 = arith.constant 0 : i32
      %dma_start3A_10 = tpu.memref_slice %arg3[%add3A, %dma_start3A, %dma_start3A_9] : memref<32x79x128xi32, #tpu.memory_space<hbm>> -> memref<1x79x128xi32, #tpu.memory_space<hbm>>
      %dma_start3A_11 = tpu.memref_squeeze %dma_start3A_10 : memref<1x79x128xi32, #tpu.memory_space<hbm>> -> memref<79x128xi32, #tpu.memory_space<hbm>>
      %dma_start3A_12 = arith.constant 0 : i32
      %dma_start3A_13 = arith.constant 0 : i32
      %dma_start3A_14 = tpu.memref_slice %arg3[%add3A, %dma_start3A_12, %dma_start3A_13] : memref<32x79x128xi32, #tpu.memory_space<hbm>> -> memref<1x79x128xi32, #tpu.memory_space<hbm>>
      %dma_start3A_15 = tpu.memref_squeeze %dma_start3A_14 : memref<1x79x128xi32, #tpu.memory_space<hbm>> -> memref<79x128xi32, #tpu.memory_space<hbm>>
      tpu.enqueue_dma source(%dma_start3A_15 : memref<79x128xi32, #tpu.memory_space<hbm>>) target(%arg8 : memref<79x128xi32, #tpu.memory_space<vmem>>) target_semaphore(%run_scoped3A : memref<!tpu.dma_semaphore, #tpu.memory_space<semaphore_mem>>)
      %dma_wait3A = arith.constant 0 : i32
      %dma_wait3A_16 = arith.constant 0 : i32
      %dma_wait3A_17 = tpu.memref_slice %arg3[%add3A, %dma_wait3A, %dma_wait3A_16] : memref<32x79x128xi32, #tpu.memory_space<hbm>> -> memref<1x79x128xi32, #tpu.memory_space<hbm>>
      %dma_wait3A_18 = tpu.memref_squeeze %dma_wait3A_17 : memref<1x79x128xi32, #tpu.memory_space<hbm>> -> memref<79x128xi32, #tpu.memory_space<hbm>>
      %dma_wait3A_19 = arith.constant 0 : i32
      %dma_wait3A_20 = arith.constant 0 : i32
      %dma_wait3A_21 = tpu.memref_slice %arg3[%add3A, %dma_wait3A_19, %dma_wait3A_20] : memref<32x79x128xi32, #tpu.memory_space<hbm>> -> memref<1x79x128xi32, #tpu.memory_space<hbm>>
      %dma_wait3A_22 = tpu.memref_squeeze %dma_wait3A_21 : memref<1x79x128xi32, #tpu.memory_space<hbm>> -> memref<79x128xi32, #tpu.memory_space<hbm>>
      tpu.wait_dma2 semaphore(%run_scoped3A : memref<!tpu.dma_semaphore, #tpu.memory_space<semaphore_mem>>) src(%dma_wait3A_22 : memref<79x128xi32, #tpu.memory_space<hbm>>) dst(%arg8 : memref<79x128xi32, #tpu.memory_space<vmem>>)
      tpu.yield
    }) : () -> ()
    "tpu.region"() ({
      %run_scoped3A = tpu.sem_alloc : memref<!tpu.dma_semaphore, #tpu.memory_space<semaphore_mem>>
      %dma_start3A = arith.constant 0 : i32
      %dma_start3A_9 = arith.constant 0 : i32
      %dma_start3A_10 = tpu.memref_slice %arg4[%add3A, %dma_start3A, %dma_start3A_9] : memref<32x79x128xi32, #tpu.memory_space<hbm>> -> memref<1x79x128xi32, #tpu.memory_space<hbm>>
      %dma_start3A_11 = tpu.memref_squeeze %dma_start3A_10 : memref<1x79x128xi32, #tpu.memory_space<hbm>> -> memref<79x128xi32, #tpu.memory_space<hbm>>
      %dma_start3A_12 = arith.constant 0 : i32
      %dma_start3A_13 = arith.constant 0 : i32
      %dma_start3A_14 = tpu.memref_slice %arg4[%add3A, %dma_start3A_12, %dma_start3A_13] : memref<32x79x128xi32, #tpu.memory_space<hbm>> -> memref<1x79x128xi32, #tpu.memory_space<hbm>>
      %dma_start3A_15 = tpu.memref_squeeze %dma_start3A_14 : memref<1x79x128xi32, #tpu.memory_space<hbm>> -> memref<79x128xi32, #tpu.memory_space<hbm>>
      tpu.enqueue_dma source(%dma_start3A_15 : memref<79x128xi32, #tpu.memory_space<hbm>>) target(%arg9 : memref<79x128xi32, #tpu.memory_space<vmem>>) target_semaphore(%run_scoped3A : memref<!tpu.dma_semaphore, #tpu.memory_space<semaphore_mem>>)
      %dma_wait3A = arith.constant 0 : i32
      %dma_wait3A_16 = arith.constant 0 : i32
      %dma_wait3A_17 = tpu.memref_slice %arg4[%add3A, %dma_wait3A, %dma_wait3A_16] : memref<32x79x128xi32, #tpu.memory_space<hbm>> -> memref<1x79x128xi32, #tpu.memory_space<hbm>>
      %dma_wait3A_18 = tpu.memref_squeeze %dma_wait3A_17 : memref<1x79x128xi32, #tpu.memory_space<hbm>> -> memref<79x128xi32, #tpu.memory_space<hbm>>
      %dma_wait3A_19 = arith.constant 0 : i32
      %dma_wait3A_20 = arith.constant 0 : i32
      %dma_wait3A_21 = tpu.memref_slice %arg4[%add3A, %dma_wait3A_19, %dma_wait3A_20] : memref<32x79x128xi32, #tpu.memory_space<hbm>> -> memref<1x79x128xi32, #tpu.memory_space<hbm>>
      %dma_wait3A_22 = tpu.memref_squeeze %dma_wait3A_21 : memref<1x79x128xi32, #tpu.memory_space<hbm>> -> memref<79x128xi32, #tpu.memory_space<hbm>>
      tpu.wait_dma2 semaphore(%run_scoped3A : memref<!tpu.dma_semaphore, #tpu.memory_space<semaphore_mem>>) src(%dma_wait3A_22 : memref<79x128xi32, #tpu.memory_space<hbm>>) dst(%arg9 : memref<79x128xi32, #tpu.memory_space<vmem>>)
      tpu.yield
    }) : () -> ()
    %barrier3A = arith.constant 0 : index
    tpu.barrier barrier_id(%barrier3A)
    %scan3A = arith.constant 0 : i32
    %scan3A_3 = arith.constant 0 : i32
    %scan3A_4 = arith.constant 79 : i32
    %scan3A_5 = arith.addi %scan3A_3, %scan3A_4 : i32
    %scan3A_6 = arith.constant 1 : i32
    scf.for %scan3A_9 = %scan3A_3 to %scan3A_5 step %scan3A_6  : i32 {
      "tpu.region"() ({
        %run_scoped3A = tpu.sem_alloc : memref<!tpu.dma_semaphore, #tpu.memory_space<semaphore_mem>>
        %dma_start3A = arith.constant 0 : i32
        %dma_start3A_10 = tpu.memref_slice %arg8[%scan3A_9, %dma_start3A] : memref<79x128xi32, #tpu.memory_space<vmem>> -> memref<1x128xi32, #tpu.memory_space<vmem>>
        %dma_start3A_11 = tpu.memref_squeeze %dma_start3A_10 : memref<1x128xi32, #tpu.memory_space<vmem>> -> memref<128xi32, #tpu.memory_space<vmem>>
        %dma_start3A_12 = arith.constant 0 : i32
        %dma_start3A_13 = arith.constant 0 : i32
        %dma_start3A_14 = tpu.memref_slice %arg2[%dma_start3A_12, %dma_start3A_13] : memref<10000x16xf32, #tpu.memory_space<hbm>> -> memref<10000x16xf32, #tpu.memory_space<hbm>>
        tpu.enqueue_indirect_dma source(%dma_start3A_14 : memref<10000x16xf32, #tpu.memory_space<hbm>>) target(%arg10 : memref<128x16xf32, #tpu.memory_space<vmem>>) offsets(%dma_start3A_11 : memref<128xi32, #tpu.memory_space<vmem>>) semaphore(%run_scoped3A : memref<!tpu.dma_semaphore, #tpu.memory_space<semaphore_mem>>)
        %dma_wait3A = arith.constant 0 : i32
        %dma_wait3A_15 = tpu.memref_slice %arg8[%scan3A_9, %dma_wait3A] : memref<79x128xi32, #tpu.memory_space<vmem>> -> memref<1x128xi32, #tpu.memory_space<vmem>>
        %dma_wait3A_16 = tpu.memref_squeeze %dma_wait3A_15 : memref<1x128xi32, #tpu.memory_space<vmem>> -> memref<128xi32, #tpu.memory_space<vmem>>
        %dma_wait3A_17 = arith.constant 0 : i32
        %dma_wait3A_18 = arith.constant 0 : i32
        %dma_wait3A_19 = tpu.memref_slice %arg2[%dma_wait3A_17, %dma_wait3A_18] : memref<10000x16xf32, #tpu.memory_space<hbm>> -> memref<10000x16xf32, #tpu.memory_space<hbm>>
        tpu.wait_indirect_dma semaphore(%run_scoped3A : memref<!tpu.dma_semaphore, #tpu.memory_space<semaphore_mem>>) src(%dma_wait3A_19 : memref<10000x16xf32, #tpu.memory_space<hbm>>) dst(%arg10 : memref<128x16xf32, #tpu.memory_space<vmem>>)
        tpu.yield
      }) : () -> ()
      "tpu.region"() ({
        %run_scoped3A = tpu.sem_alloc : memref<!tpu.dma_semaphore, #tpu.memory_space<semaphore_mem>>
        %dma_start3A = arith.constant 0 : i32
        %dma_start3A_10 = tpu.memref_slice %arg9[%scan3A_9, %dma_start3A] : memref<79x128xi32, #tpu.memory_space<vmem>> -> memref<1x128xi32, #tpu.memory_space<vmem>>
        %dma_start3A_11 = tpu.memref_squeeze %dma_start3A_10 : memref<1x128xi32, #tpu.memory_space<vmem>> -> memref<128xi32, #tpu.memory_space<vmem>>
        %dma_start3A_12 = arith.constant 0 : i32
        %dma_start3A_13 = arith.constant 0 : i32
        %dma_start3A_14 = tpu.memref_slice %arg7[%dma_start3A_12, %dma_start3A_13] : memref<10112x16xf32, #tpu.memory_space<vmem_shared>> -> memref<10112x16xf32, #tpu.memory_space<vmem_shared>>
        tpu.enqueue_indirect_dma source(%arg10 : memref<128x16xf32, #tpu.memory_space<vmem>>) target(%dma_start3A_14 : memref<10112x16xf32, #tpu.memory_space<vmem_shared>>) offsets(%dma_start3A_11 : memref<128xi32, #tpu.memory_space<vmem>>) semaphore(%run_scoped3A : memref<!tpu.dma_semaphore, #tpu.memory_space<semaphore_mem>>) {add = true}
        %dma_wait3A = arith.constant 0 : i32
        %dma_wait3A_15 = tpu.memref_slice %arg9[%scan3A_9, %dma_wait3A] : memref<79x128xi32, #tpu.memory_space<vmem>> -> memref<1x128xi32, #tpu.memory_space<vmem>>
        %dma_wait3A_16 = tpu.memref_squeeze %dma_wait3A_15 : memref<1x128xi32, #tpu.memory_space<vmem>> -> memref<128xi32, #tpu.memory_space<vmem>>
        %dma_wait3A_17 = arith.constant 0 : i32
        %dma_wait3A_18 = arith.constant 0 : i32
        %dma_wait3A_19 = tpu.memref_slice %arg7[%dma_wait3A_17, %dma_wait3A_18] : memref<10112x16xf32, #tpu.memory_space<vmem_shared>> -> memref<10112x16xf32, #tpu.memory_space<vmem_shared>>
        tpu.wait_indirect_dma semaphore(%run_scoped3A : memref<!tpu.dma_semaphore, #tpu.memory_space<semaphore_mem>>) src(%arg10 : memref<128x16xf32, #tpu.memory_space<vmem>>) dst(%dma_wait3A_19 : memref<10112x16xf32, #tpu.memory_space<vmem_shared>>)
        tpu.yield
      }) : () -> ()
    }
    %scan3A_7 = arith.constant 79 : i32
    %barrier3A_8 = arith.constant 0 : index
    tpu.barrier barrier_id(%barrier3A_8)
    "tpu.region"() ({
      %run_scoped3A = tpu.sem_alloc : memref<!tpu.dma_semaphore, #tpu.memory_space<semaphore_mem>>
      %dma_start3A = arith.constant 0 : i32
      %dma_start3A_9 = tpu.memref_slice %arg6[%arg0, %mul3A_2, %dma_start3A] : memref<2x10112x16xf32, #tpu.memory_space<hbm>> -> memref<1x632x16xf32, #tpu.memory_space<hbm>>
      %dma_start3A_10 = tpu.memref_squeeze %dma_start3A_9 : memref<1x632x16xf32, #tpu.memory_space<hbm>> -> memref<632x16xf32, #tpu.memory_space<hbm>>
      %dma_start3A_11 = arith.constant 0 : i32
      %dma_start3A_12 = tpu.memref_slice %arg7[%mul3A_2, %dma_start3A_11] : memref<10112x16xf32, #tpu.memory_space<vmem_shared>> -> memref<632x16xf32, #tpu.memory_space<vmem_shared>>
      tpu.enqueue_dma source(%dma_start3A_12 : memref<632x16xf32, #tpu.memory_space<vmem_shared>>) target(%dma_start3A_10 : memref<632x16xf32, #tpu.memory_space<hbm>>) target_semaphore(%run_scoped3A : memref<!tpu.dma_semaphore, #tpu.memory_space<semaphore_mem>>)
      %dma_wait3A = arith.constant 0 : i32
      %dma_wait3A_13 = tpu.memref_slice %arg6[%arg0, %mul3A_2, %dma_wait3A] : memref<2x10112x16xf32, #tpu.memory_space<hbm>> -> memref<1x632x16xf32, #tpu.memory_space<hbm>>
      %dma_wait3A_14 = tpu.memref_squeeze %dma_wait3A_13 : memref<1x632x16xf32, #tpu.memory_space<hbm>> -> memref<632x16xf32, #tpu.memory_space<hbm>>
      %dma_wait3A_15 = arith.constant 0 : i32
      %dma_wait3A_16 = tpu.memref_slice %arg7[%mul3A_2, %dma_wait3A_15] : memref<10112x16xf32, #tpu.memory_space<vmem_shared>> -> memref<632x16xf32, #tpu.memory_space<vmem_shared>>
      tpu.wait_dma2 semaphore(%run_scoped3A : memref<!tpu.dma_semaphore, #tpu.memory_space<semaphore_mem>>) src(%dma_wait3A_16 : memref<632x16xf32, #tpu.memory_space<vmem_shared>>) dst(%dma_wait3A_14 : memref<632x16xf32, #tpu.memory_space<hbm>>)
      tpu.yield
    }) : () -> ()
    return
  }
}

module attributes {stable_mosaic.version = 14 : i64} {
  func.func @body(%arg0: memref<2500x128xi32, #tpu.memory_space<vmem>>, %arg1: memref<2500x128xi32, #tpu.memory_space<vmem>>, %arg2: memref<2500x128xi32, #tpu.memory_space<vmem>>) attributes {dimension_semantics = [], scalar_prefetch = 0 : i64, scratch_operands = 0 : i64, tpu.core_type = #tpu.core_type<tc>} {
    %get3A = arith.constant 0 : index
    %get3A_0 = arith.constant 0 : index
    %get3A_1 = vector.load %arg0[%get3A, %get3A_0] : memref<2500x128xi32, #tpu.memory_space<vmem>>, vector<2500x128xi32>
    %get3A_2 = arith.constant 0 : index
    %get3A_3 = arith.constant 0 : index
    %get3A_4 = vector.load %arg1[%get3A_2, %get3A_3] : memref<2500x128xi32, #tpu.memory_space<vmem>>, vector<2500x128xi32>
    %eq3A = arith.cmpi eq, %get3A_1, %get3A_4 : vector<2500x128xi32>
    %jit3A = arith.constant 10000 : i32
    %broadcast_in_dim3A = vector.broadcast %jit3A : i32 to vector<2500x128xi32>
    %select_n3A = arith.select %eq3A, %broadcast_in_dim3A, %get3A_1 : vector<2500x128xi1>, vector<2500x128xi32>
    %swap3A = arith.constant 0 : index
    %swap3A_5 = arith.constant 0 : index
    %swap3A_6 = vector.load %arg2[%swap3A, %swap3A_5] : memref<2500x128xi32, #tpu.memory_space<vmem>>, vector<2500x128xi32>
    tpu.vector_store %arg2[%swap3A, %swap3A_5], %select_n3A {strides = array<i32>} : memref<2500x128xi32, #tpu.memory_space<vmem>>, vector<2500x128xi32>,
    return
  }
}

module attributes {stable_mosaic.version = 14 : i64} {
  func.func @body(%arg0: i32, %arg1: memref<1000x16xf32, #tpu.memory_space<vmem>>, %arg2: memref<1000x16xf32, #tpu.memory_space<vmem>>, %arg3: memref<1000x1xf32, #tpu.memory_space<vmem>>) attributes {dimension_semantics = [#tpu.dimension_semantics<arbitrary>], iteration_bounds = array<i64: 10>, scalar_prefetch = 0 : i64, scratch_operands = 0 : i64, tpu.core_type = #tpu.core_type<tc>, window_params = [{transform_indices = @transform_0, window_bounds = array<i64: 1000, 16>}, {transform_indices = @transform_1, window_bounds = array<i64: 1000, 16>}, {transform_indices = @transform_2, window_bounds = array<i64: 1000, 1>}]} {
    %get3A = arith.constant 0 : index
    %get3A_0 = arith.constant 0 : index
    %get3A_1 = vector.load %arg1[%get3A, %get3A_0] : memref<1000x16xf32, #tpu.memory_space<vmem>>, vector<1000x16xf32>
    %get3A_2 = arith.constant 0 : index
    %get3A_3 = arith.constant 0 : index
    %get3A_4 = vector.load %arg2[%get3A_2, %get3A_3] : memref<1000x16xf32, #tpu.memory_space<vmem>>, vector<1000x16xf32>
    %add3A = arith.addf %get3A_1, %get3A_4 : vector<1000x16xf32>
    %slice3A = vector.extract_strided_slice %add3A {offsets = [0, 0], sizes = [1000, 1], strides = [1, 1]} : vector<1000x16xf32> to vector<1000x1xf32>
    %gt3A = arith.constant 0.000000e+00 : f32
    %gt3A_5 = vector.broadcast %gt3A : f32 to vector<1000x1xf32>
    %gt3A_6 = arith.cmpf ogt, %slice3A, %gt3A_5 : vector<1000x1xf32>
    %rsqrt3A = math.rsqrt %slice3A : vector<1000x1xf32>
    %jit3A = arith.constant 0.000000e+00 : f32
    %broadcast_in_dim3A = vector.broadcast %jit3A : f32 to vector<1000x1xf32>
    %select_n3A = arith.select %gt3A_6, %rsqrt3A, %broadcast_in_dim3A : vector<1000x1xi1>, vector<1000x1xf32>
    %swap3A = arith.constant 0 : index
    %swap3A_7 = arith.constant 0 : index
    %swap3A_8 = vector.load %arg3[%swap3A, %swap3A_7] : memref<1000x1xf32, #tpu.memory_space<vmem>>, vector<1000x1xf32>
    tpu.vector_store %arg3[%swap3A, %swap3A_7], %select_n3A {strides = array<i32>} : memref<1000x1xf32, #tpu.memory_space<vmem>>, vector<1000x1xf32>,
    return
  }
  func.func @transform_0(%arg0: i32) -> (i32, i32) {
    %c0_i32 = arith.constant 0 : i32
    %c0_i32_0 = arith.constant 0 : i32
    return %arg0, %c0_i32 : i32, i32
  }
  func.func @transform_1(%arg0: i32) -> (i32, i32) {
    %c0_i32 = arith.constant 0 : i32
    %c0_i32_0 = arith.constant 0 : i32
    return %arg0, %c0_i32 : i32, i32
  }
  func.func @transform_2(%arg0: i32) -> (i32, i32) {
    %c0_i32 = arith.constant 0 : i32
    %c0_i32_0 = arith.constant 0 : i32
    return %arg0, %c0_i32 : i32, i32
  }
}

module attributes {stable_mosaic.version = 14 : i64} {
  func.func @body(%arg0: i32, %arg1: memref<1000x128xf32, #tpu.memory_space<vmem>>, %arg2: memref<1000x1xf32, #tpu.memory_space<vmem>>, %arg3: memref<128x128xf32, #tpu.memory_space<vmem>>, %arg4: memref<128x128xf32, #tpu.memory_space<vmem>>, %arg5: memref<8x128xf32, #tpu.memory_space<vmem>>, %arg6: memref<1000x128xf32, #tpu.memory_space<vmem>>, %arg7: memref<1000x128xf32, #tpu.memory_space<vmem>>) attributes {dimension_semantics = [#tpu.dimension_semantics<arbitrary>], iteration_bounds = array<i64: 10>, scalar_prefetch = 0 : i64, scratch_operands = 0 : i64, tpu.core_type = #tpu.core_type<tc>, window_params = [{transform_indices = @transform_0, window_bounds = array<i64: 1000, 128>}, {transform_indices = @transform_1, window_bounds = array<i64: 1000, 1>}, {pipeline_mode = #tpu.pipeline_mode<synchronous>, transform_indices = @transform_2, window_bounds = array<i64: 128, 128>}, {pipeline_mode = #tpu.pipeline_mode<synchronous>, transform_indices = @transform_3, window_bounds = array<i64: 128, 128>}, {pipeline_mode = #tpu.pipeline_mode<synchronous>, transform_indices = @transform_4, window_bounds = array<i64: 8, 128>}, {transform_indices = @transform_5, window_bounds = array<i64: 1000, 128>}, {transform_indices = @transform_6, window_bounds = array<i64: 1000, 128>}]} {
    %get3A = arith.constant 0 : index
    %get3A_0 = arith.constant 0 : index
    %get3A_1 = vector.load %arg1[%get3A, %get3A_0] : memref<1000x128xf32, #tpu.memory_space<vmem>>, vector<1000x128xf32>
    %get3A_2 = arith.constant 0 : index
    %get3A_3 = arith.constant 0 : index
    %get3A_4 = vector.load %arg3[%get3A_2, %get3A_3] : memref<128x128xf32, #tpu.memory_space<vmem>>, vector<128x128xf32>
    %dot_general3A = arith.constant dense<0.000000e+00> : vector<1000x128xf32>
    %dot_general3A_5 = tpu.matmul %get3A_1, %get3A_4, %dot_general3A {dimension_numbers = #tpu.dot_dimension_numbers<[1], [0], [0], [1], [0, 0, 1, 1], [], []>, transpose_lhs_hint = false} : vector<1000x128xf32>, vector<128x128xf32>, vector<1000x128xf32> -> vector<1000x128xf32>
    %get3A_6 = arith.constant 0 : index
    %get3A_7 = arith.constant 0 : index
    %get3A_8 = vector.load %arg5[%get3A_6, %get3A_7] : memref<8x128xf32, #tpu.memory_space<vmem>>, vector<1x128xf32>
    %add3A = vector.broadcast %get3A_8 : vector<1x128xf32> to vector<1000x128xf32>
    %add3A_9 = arith.addf %dot_general3A_5, %add3A : vector<1000x128xf32>
    %swap3A = arith.constant 0 : index
    %swap3A_10 = arith.constant 0 : index
    %swap3A_11 = vector.load %arg6[%swap3A, %swap3A_10] : memref<1000x128xf32, #tpu.memory_space<vmem>>, vector<1000x128xf32>
    tpu.vector_store %arg6[%swap3A, %swap3A_10], %add3A_9 {strides = array<i32>} : memref<1000x128xf32, #tpu.memory_space<vmem>>, vector<1000x128xf32>,
    %get3A_12 = arith.constant 0 : index
    %get3A_13 = arith.constant 0 : index
    %get3A_14 = vector.load %arg2[%get3A_12, %get3A_13] : memref<1000x1xf32, #tpu.memory_space<vmem>>, vector<1000x1xf32>
    %mul3A = vector.broadcast %get3A_14 : vector<1000x1xf32> to vector<1000x128xf32>
    %mul3A_15 = arith.mulf %get3A_1, %mul3A : vector<1000x128xf32>
    %get3A_16 = arith.constant 0 : index
    %get3A_17 = arith.constant 0 : index
    %get3A_18 = vector.load %arg4[%get3A_16, %get3A_17] : memref<128x128xf32, #tpu.memory_space<vmem>>, vector<128x128xf32>
    %dot_general3A_19 = arith.constant dense<0.000000e+00> : vector<1000x128xf32>
    %dot_general3A_20 = tpu.matmul %mul3A_15, %get3A_18, %dot_general3A_19 {dimension_numbers = #tpu.dot_dimension_numbers<[1], [0], [0], [1], [0, 0, 1, 1], [], []>, transpose_lhs_hint = false} : vector<1000x128xf32>, vector<128x128xf32>, vector<1000x128xf32> -> vector<1000x128xf32>
    %swap3A_21 = arith.constant 0 : index
    %swap3A_22 = arith.constant 0 : index
    %swap3A_23 = vector.load %arg7[%swap3A_21, %swap3A_22] : memref<1000x128xf32, #tpu.memory_space<vmem>>, vector<1000x128xf32>
    tpu.vector_store %arg7[%swap3A_21, %swap3A_22], %dot_general3A_20 {strides = array<i32>} : memref<1000x128xf32, #tpu.memory_space<vmem>>, vector<1000x128xf32>,
    return
  }
  func.func @transform_0(%arg0: i32) -> (i32, i32) {
    %c0_i32 = arith.constant 0 : i32
    %c0_i32_0 = arith.constant 0 : i32
    return %arg0, %c0_i32 : i32, i32
  }
  func.func @transform_1(%arg0: i32) -> (i32, i32) {
    %c0_i32 = arith.constant 0 : i32
    %c0_i32_0 = arith.constant 0 : i32
    return %arg0, %c0_i32 : i32, i32
  }
  func.func @transform_2(%arg0: i32) -> (i32, i32) {
    %c0_i32 = arith.constant 0 : i32
    %c0_i32_0 = arith.constant 0 : i32
    %c0_i32_1 = arith.constant 0 : i32
    return %c0_i32, %c0_i32_0 : i32, i32
  }
  func.func @transform_3(%arg0: i32) -> (i32, i32) {
    %c0_i32 = arith.constant 0 : i32
    %c0_i32_0 = arith.constant 0 : i32
    %c0_i32_1 = arith.constant 0 : i32
    return %c0_i32, %c0_i32_0 : i32, i32
  }
  func.func @transform_4(%arg0: i32) -> (i32, i32) {
    %c0_i32 = arith.constant 0 : i32
    %c0_i32_0 = arith.constant 0 : i32
    %c0_i32_1 = arith.constant 0 : i32
    return %c0_i32, %c0_i32_0 : i32, i32
  }
  func.func @transform_5(%arg0: i32) -> (i32, i32) {
    %c0_i32 = arith.constant 0 : i32
    %c0_i32_0 = arith.constant 0 : i32
    return %arg0, %c0_i32 : i32, i32
  }
  func.func @transform_6(%arg0: i32) -> (i32, i32) {
    %c0_i32 = arith.constant 0 : i32
    %c0_i32_0 = arith.constant 0 : i32
    return %arg0, %c0_i32 : i32, i32
  }
}

module attributes {stable_mosaic.version = 14 : i64} {
  func.func @body(%arg0: i32, %arg1: memref<1000x128xf32, #tpu.memory_space<vmem>>, %arg2: memref<1000x128xf32, #tpu.memory_space<vmem>>, %arg3: memref<1000x128xf32, #tpu.memory_space<vmem>>, %arg4: memref<1000x1xf32, #tpu.memory_space<vmem>>, %arg5: memref<128x128xf32, #tpu.memory_space<vmem>>, %arg6: memref<128x128xf32, #tpu.memory_space<vmem>>, %arg7: memref<8x128xf32, #tpu.memory_space<vmem>>, %arg8: memref<1000x128xf32, #tpu.memory_space<vmem>>, %arg9: memref<1000x128xf32, #tpu.memory_space<vmem>>) attributes {dimension_semantics = [#tpu.dimension_semantics<arbitrary>], iteration_bounds = array<i64: 10>, scalar_prefetch = 0 : i64, scratch_operands = 0 : i64, tpu.core_type = #tpu.core_type<tc>, window_params = [{transform_indices = @transform_0, window_bounds = array<i64: 1000, 128>}, {transform_indices = @transform_1, window_bounds = array<i64: 1000, 128>}, {transform_indices = @transform_2, window_bounds = array<i64: 1000, 128>}, {transform_indices = @transform_3, window_bounds = array<i64: 1000, 1>}, {pipeline_mode = #tpu.pipeline_mode<synchronous>, transform_indices = @transform_4, window_bounds = array<i64: 128, 128>}, {pipeline_mode = #tpu.pipeline_mode<synchronous>, transform_indices = @transform_5, window_bounds = array<i64: 128, 128>}, {pipeline_mode = #tpu.pipeline_mode<synchronous>, transform_indices = @transform_6, window_bounds = array<i64: 8, 128>}, {transform_indices = @transform_7, window_bounds = array<i64: 1000, 128>}, {transform_indices = @transform_8, window_bounds = array<i64: 1000, 128>}]} {
    %get3A = arith.constant 0 : index
    %get3A_0 = arith.constant 0 : index
    %get3A_1 = vector.load %arg4[%get3A, %get3A_0] : memref<1000x1xf32, #tpu.memory_space<vmem>>, vector<1000x1xf32>
    %get3A_2 = arith.constant 0 : index
    %get3A_3 = arith.constant 0 : index
    %get3A_4 = vector.load %arg1[%get3A_2, %get3A_3] : memref<1000x128xf32, #tpu.memory_space<vmem>>, vector<1000x128xf32>
    %get3A_5 = arith.constant 0 : index
    %get3A_6 = arith.constant 0 : index
    %get3A_7 = vector.load %arg2[%get3A_5, %get3A_6] : memref<1000x128xf32, #tpu.memory_space<vmem>>, vector<1000x128xf32>
    %get3A_8 = arith.constant 0 : index
    %get3A_9 = arith.constant 0 : index
    %get3A_10 = vector.load %arg3[%get3A_8, %get3A_9] : memref<1000x128xf32, #tpu.memory_space<vmem>>, vector<1000x128xf32>
    %add3A = arith.addf %get3A_7, %get3A_10 : vector<1000x128xf32>
    %mul3A = vector.broadcast %get3A_1 : vector<1000x1xf32> to vector<1000x128xf32>
    %mul3A_11 = arith.mulf %mul3A, %add3A : vector<1000x128xf32>
    %sub3A = arith.subf %get3A_4, %mul3A_11 : vector<1000x128xf32>
    %max3A = arith.constant 0.000000e+00 : f32
    %max3A_12 = vector.broadcast %max3A : f32 to vector<1000x128xf32>
    %max3A_13 = arith.maximumf %sub3A, %max3A_12 : vector<1000x128xf32>
    %get3A_14 = arith.constant 0 : index
    %get3A_15 = arith.constant 0 : index
    %get3A_16 = vector.load %arg5[%get3A_14, %get3A_15] : memref<128x128xf32, #tpu.memory_space<vmem>>, vector<128x128xf32>
    %dot_general3A = arith.constant dense<0.000000e+00> : vector<1000x128xf32>
    %dot_general3A_17 = tpu.matmul %max3A_13, %get3A_16, %dot_general3A {dimension_numbers = #tpu.dot_dimension_numbers<[1], [0], [0], [1], [0, 0, 1, 1], [], []>, transpose_lhs_hint = false} : vector<1000x128xf32>, vector<128x128xf32>, vector<1000x128xf32> -> vector<1000x128xf32>
    %get3A_18 = arith.constant 0 : index
    %get3A_19 = arith.constant 0 : index
    %get3A_20 = vector.load %arg7[%get3A_18, %get3A_19] : memref<8x128xf32, #tpu.memory_space<vmem>>, vector<1x128xf32>
    %add3A_21 = vector.broadcast %get3A_20 : vector<1x128xf32> to vector<1000x128xf32>
    %add3A_22 = arith.addf %dot_general3A_17, %add3A_21 : vector<1000x128xf32>
    %swap3A = arith.constant 0 : index
    %swap3A_23 = arith.constant 0 : index
    %swap3A_24 = vector.load %arg8[%swap3A, %swap3A_23] : memref<1000x128xf32, #tpu.memory_space<vmem>>, vector<1000x128xf32>
    tpu.vector_store %arg8[%swap3A, %swap3A_23], %add3A_22 {strides = array<i32>} : memref<1000x128xf32, #tpu.memory_space<vmem>>, vector<1000x128xf32>,
    %mul3A_25 = vector.broadcast %get3A_1 : vector<1000x1xf32> to vector<1000x128xf32>
    %mul3A_26 = arith.mulf %max3A_13, %mul3A_25 : vector<1000x128xf32>
    %get3A_27 = arith.constant 0 : index
    %get3A_28 = arith.constant 0 : index
    %get3A_29 = vector.load %arg6[%get3A_27, %get3A_28] : memref<128x128xf32, #tpu.memory_space<vmem>>, vector<128x128xf32>
    %dot_general3A_30 = arith.constant dense<0.000000e+00> : vector<1000x128xf32>
    %dot_general3A_31 = tpu.matmul %mul3A_26, %get3A_29, %dot_general3A_30 {dimension_numbers = #tpu.dot_dimension_numbers<[1], [0], [0], [1], [0, 0, 1, 1], [], []>, transpose_lhs_hint = false} : vector<1000x128xf32>, vector<128x128xf32>, vector<1000x128xf32> -> vector<1000x128xf32>
    %swap3A_32 = arith.constant 0 : index
    %swap3A_33 = arith.constant 0 : index
    %swap3A_34 = vector.load %arg9[%swap3A_32, %swap3A_33] : memref<1000x128xf32, #tpu.memory_space<vmem>>, vector<1000x128xf32>
    tpu.vector_store %arg9[%swap3A_32, %swap3A_33], %dot_general3A_31 {strides = array<i32>} : memref<1000x128xf32, #tpu.memory_space<vmem>>, vector<1000x128xf32>,
    return
  }
  func.func @transform_0(%arg0: i32) -> (i32, i32) {
    %c0_i32 = arith.constant 0 : i32
    %c0_i32_0 = arith.constant 0 : i32
    return %arg0, %c0_i32 : i32, i32
  }
  func.func @transform_1(%arg0: i32) -> (i32, i32) {
    %c0_i32 = arith.constant 0 : i32
    %c0_i32_0 = arith.constant 0 : i32
    return %arg0, %c0_i32 : i32, i32
  }
  func.func @transform_2(%arg0: i32) -> (i32, i32) {
    %c0_i32 = arith.constant 0 : i32
    %c0_i32_0 = arith.constant 0 : i32
    return %arg0, %c0_i32 : i32, i32
  }
  func.func @transform_3(%arg0: i32) -> (i32, i32) {
    %c0_i32 = arith.constant 0 : i32
    %c0_i32_0 = arith.constant 0 : i32
    return %arg0, %c0_i32 : i32, i32
  }
  func.func @transform_4(%arg0: i32) -> (i32, i32) {
    %c0_i32 = arith.constant 0 : i32
    %c0_i32_0 = arith.constant 0 : i32
    %c0_i32_1 = arith.constant 0 : i32
    return %c0_i32, %c0_i32_0 : i32, i32
  }
  func.func @transform_5(%arg0: i32) -> (i32, i32) {
    %c0_i32 = arith.constant 0 : i32
    %c0_i32_0 = arith.constant 0 : i32
    %c0_i32_1 = arith.constant 0 : i32
    return %c0_i32, %c0_i32_0 : i32, i32
  }
  func.func @transform_6(%arg0: i32) -> (i32, i32) {
    %c0_i32 = arith.constant 0 : i32
    %c0_i32_0 = arith.constant 0 : i32
    %c0_i32_1 = arith.constant 0 : i32
    return %c0_i32, %c0_i32_0 : i32, i32
  }
  func.func @transform_7(%arg0: i32) -> (i32, i32) {
    %c0_i32 = arith.constant 0 : i32
    %c0_i32_0 = arith.constant 0 : i32
    return %arg0, %c0_i32 : i32, i32
  }
  func.func @transform_8(%arg0: i32) -> (i32, i32) {
    %c0_i32 = arith.constant 0 : i32
    %c0_i32_0 = arith.constant 0 : i32
    return %arg0, %c0_i32 : i32, i32
  }
}

module attributes {stable_mosaic.version = 14 : i64} {
  func.func @body(%arg0: i32, %arg1: memref<1000x128xf32, #tpu.memory_space<vmem>>, %arg2: memref<1000x128xf32, #tpu.memory_space<vmem>>, %arg3: memref<1000x128xf32, #tpu.memory_space<vmem>>, %arg4: memref<1000x1xf32, #tpu.memory_space<vmem>>, %arg5: memref<128x16xf32, #tpu.memory_space<vmem>>, %arg6: memref<128x16xf32, #tpu.memory_space<vmem>>, %arg7: memref<8x16xf32, #tpu.memory_space<vmem>>, %arg8: memref<1000x16xf32, #tpu.memory_space<vmem>>, %arg9: memref<1000x16xf32, #tpu.memory_space<vmem>>) attributes {dimension_semantics = [#tpu.dimension_semantics<arbitrary>], iteration_bounds = array<i64: 10>, scalar_prefetch = 0 : i64, scratch_operands = 0 : i64, tpu.core_type = #tpu.core_type<tc>, window_params = [{transform_indices = @transform_0, window_bounds = array<i64: 1000, 128>}, {transform_indices = @transform_1, window_bounds = array<i64: 1000, 128>}, {transform_indices = @transform_2, window_bounds = array<i64: 1000, 128>}, {transform_indices = @transform_3, window_bounds = array<i64: 1000, 1>}, {pipeline_mode = #tpu.pipeline_mode<synchronous>, transform_indices = @transform_4, window_bounds = array<i64: 128, 16>}, {pipeline_mode = #tpu.pipeline_mode<synchronous>, transform_indices = @transform_5, window_bounds = array<i64: 128, 16>}, {pipeline_mode = #tpu.pipeline_mode<synchronous>, transform_indices = @transform_6, window_bounds = array<i64: 8, 16>}, {transform_indices = @transform_7, window_bounds = array<i64: 1000, 16>}, {transform_indices = @transform_8, window_bounds = array<i64: 1000, 16>}]} {
    %get3A = arith.constant 0 : index
    %get3A_0 = arith.constant 0 : index
    %get3A_1 = vector.load %arg4[%get3A, %get3A_0] : memref<1000x1xf32, #tpu.memory_space<vmem>>, vector<1000x1xf32>
    %get3A_2 = arith.constant 0 : index
    %get3A_3 = arith.constant 0 : index
    %get3A_4 = vector.load %arg1[%get3A_2, %get3A_3] : memref<1000x128xf32, #tpu.memory_space<vmem>>, vector<1000x128xf32>
    %get3A_5 = arith.constant 0 : index
    %get3A_6 = arith.constant 0 : index
    %get3A_7 = vector.load %arg2[%get3A_5, %get3A_6] : memref<1000x128xf32, #tpu.memory_space<vmem>>, vector<1000x128xf32>
    %get3A_8 = arith.constant 0 : index
    %get3A_9 = arith.constant 0 : index
    %get3A_10 = vector.load %arg3[%get3A_8, %get3A_9] : memref<1000x128xf32, #tpu.memory_space<vmem>>, vector<1000x128xf32>
    %add3A = arith.addf %get3A_7, %get3A_10 : vector<1000x128xf32>
    %mul3A = vector.broadcast %get3A_1 : vector<1000x1xf32> to vector<1000x128xf32>
    %mul3A_11 = arith.mulf %mul3A, %add3A : vector<1000x128xf32>
    %sub3A = arith.subf %get3A_4, %mul3A_11 : vector<1000x128xf32>
    %max3A = arith.constant 0.000000e+00 : f32
    %max3A_12 = vector.broadcast %max3A : f32 to vector<1000x128xf32>
    %max3A_13 = arith.maximumf %sub3A, %max3A_12 : vector<1000x128xf32>
    %get3A_14 = arith.constant 0 : index
    %get3A_15 = arith.constant 0 : index
    %get3A_16 = vector.load %arg5[%get3A_14, %get3A_15] : memref<128x16xf32, #tpu.memory_space<vmem>>, vector<128x16xf32>
    %dot_general3A = arith.constant dense<0.000000e+00> : vector<1000x16xf32>
    %dot_general3A_17 = tpu.matmul %max3A_13, %get3A_16, %dot_general3A {dimension_numbers = #tpu.dot_dimension_numbers<[1], [0], [0], [1], [0, 0, 1, 1], [], []>, transpose_lhs_hint = false} : vector<1000x128xf32>, vector<128x16xf32>, vector<1000x16xf32> -> vector<1000x16xf32>
    %get3A_18 = arith.constant 0 : index
    %get3A_19 = arith.constant 0 : index
    %get3A_20 = vector.load %arg7[%get3A_18, %get3A_19] : memref<8x16xf32, #tpu.memory_space<vmem>>, vector<1x16xf32>
    %add3A_21 = vector.broadcast %get3A_20 : vector<1x16xf32> to vector<1000x16xf32>
    %add3A_22 = arith.addf %dot_general3A_17, %add3A_21 : vector<1000x16xf32>
    %swap3A = arith.constant 0 : index
    %swap3A_23 = arith.constant 0 : index
    %swap3A_24 = vector.load %arg8[%swap3A, %swap3A_23] : memref<1000x16xf32, #tpu.memory_space<vmem>>, vector<1000x16xf32>
    tpu.vector_store %arg8[%swap3A, %swap3A_23], %add3A_22 {strides = array<i32>} : memref<1000x16xf32, #tpu.memory_space<vmem>>, vector<1000x16xf32>,
    %mul3A_25 = vector.broadcast %get3A_1 : vector<1000x1xf32> to vector<1000x128xf32>
    %mul3A_26 = arith.mulf %max3A_13, %mul3A_25 : vector<1000x128xf32>
    %get3A_27 = arith.constant 0 : index
    %get3A_28 = arith.constant 0 : index
    %get3A_29 = vector.load %arg6[%get3A_27, %get3A_28] : memref<128x16xf32, #tpu.memory_space<vmem>>, vector<128x16xf32>
    %dot_general3A_30 = arith.constant dense<0.000000e+00> : vector<1000x16xf32>
    %dot_general3A_31 = tpu.matmul %mul3A_26, %get3A_29, %dot_general3A_30 {dimension_numbers = #tpu.dot_dimension_numbers<[1], [0], [0], [1], [0, 0, 1, 1], [], []>, transpose_lhs_hint = false} : vector<1000x128xf32>, vector<128x16xf32>, vector<1000x16xf32> -> vector<1000x16xf32>
    %swap3A_32 = arith.constant 0 : index
    %swap3A_33 = arith.constant 0 : index
    %swap3A_34 = vector.load %arg9[%swap3A_32, %swap3A_33] : memref<1000x16xf32, #tpu.memory_space<vmem>>, vector<1000x16xf32>
    tpu.vector_store %arg9[%swap3A_32, %swap3A_33], %dot_general3A_31 {strides = array<i32>} : memref<1000x16xf32, #tpu.memory_space<vmem>>, vector<1000x16xf32>,
    return
  }
  func.func @transform_0(%arg0: i32) -> (i32, i32) {
    %c0_i32 = arith.constant 0 : i32
    %c0_i32_0 = arith.constant 0 : i32
    return %arg0, %c0_i32 : i32, i32
  }
  func.func @transform_1(%arg0: i32) -> (i32, i32) {
    %c0_i32 = arith.constant 0 : i32
    %c0_i32_0 = arith.constant 0 : i32
    return %arg0, %c0_i32 : i32, i32
  }
  func.func @transform_2(%arg0: i32) -> (i32, i32) {
    %c0_i32 = arith.constant 0 : i32
    %c0_i32_0 = arith.constant 0 : i32
    return %arg0, %c0_i32 : i32, i32
  }
  func.func @transform_3(%arg0: i32) -> (i32, i32) {
    %c0_i32 = arith.constant 0 : i32
    %c0_i32_0 = arith.constant 0 : i32
    return %arg0, %c0_i32 : i32, i32
  }
  func.func @transform_4(%arg0: i32) -> (i32, i32) {
    %c0_i32 = arith.constant 0 : i32
    %c0_i32_0 = arith.constant 0 : i32
    %c0_i32_1 = arith.constant 0 : i32
    return %c0_i32, %c0_i32_0 : i32, i32
  }
  func.func @transform_5(%arg0: i32) -> (i32, i32) {
    %c0_i32 = arith.constant 0 : i32
    %c0_i32_0 = arith.constant 0 : i32
    %c0_i32_1 = arith.constant 0 : i32
    return %c0_i32, %c0_i32_0 : i32, i32
  }
  func.func @transform_6(%arg0: i32) -> (i32, i32) {
    %c0_i32 = arith.constant 0 : i32
    %c0_i32_0 = arith.constant 0 : i32
    %c0_i32_1 = arith.constant 0 : i32
    return %c0_i32, %c0_i32_0 : i32, i32
  }
  func.func @transform_7(%arg0: i32) -> (i32, i32) {
    %c0_i32 = arith.constant 0 : i32
    %c0_i32_0 = arith.constant 0 : i32
    return %arg0, %c0_i32 : i32, i32
  }
  func.func @transform_8(%arg0: i32) -> (i32, i32) {
    %c0_i32 = arith.constant 0 : i32
    %c0_i32_0 = arith.constant 0 : i32
    return %arg0, %c0_i32 : i32, i32
  }
}

module attributes {stable_mosaic.version = 14 : i64} {
  func.func @body(%arg0: i32, %arg1: memref<1000x16xf32, #tpu.memory_space<vmem>>, %arg2: memref<1000x16xf32, #tpu.memory_space<vmem>>, %arg3: memref<1000x16xf32, #tpu.memory_space<vmem>>, %arg4: memref<1000x1xf32, #tpu.memory_space<vmem>>, %arg5: memref<1000x16xf32, #tpu.memory_space<vmem>>) attributes {dimension_semantics = [#tpu.dimension_semantics<arbitrary>], iteration_bounds = array<i64: 10>, scalar_prefetch = 0 : i64, scratch_operands = 0 : i64, tpu.core_type = #tpu.core_type<tc>, window_params = [{transform_indices = @transform_0, window_bounds = array<i64: 1000, 16>}, {transform_indices = @transform_1, window_bounds = array<i64: 1000, 16>}, {transform_indices = @transform_2, window_bounds = array<i64: 1000, 16>}, {transform_indices = @transform_3, window_bounds = array<i64: 1000, 1>}, {transform_indices = @transform_4, window_bounds = array<i64: 1000, 16>}]} {
    %get3A = arith.constant 0 : index
    %get3A_0 = arith.constant 0 : index
    %get3A_1 = vector.load %arg1[%get3A, %get3A_0] : memref<1000x16xf32, #tpu.memory_space<vmem>>, vector<1000x16xf32>
    %get3A_2 = arith.constant 0 : index
    %get3A_3 = arith.constant 0 : index
    %get3A_4 = vector.load %arg4[%get3A_2, %get3A_3] : memref<1000x1xf32, #tpu.memory_space<vmem>>, vector<1000x1xf32>
    %get3A_5 = arith.constant 0 : index
    %get3A_6 = arith.constant 0 : index
    %get3A_7 = vector.load %arg2[%get3A_5, %get3A_6] : memref<1000x16xf32, #tpu.memory_space<vmem>>, vector<1000x16xf32>
    %get3A_8 = arith.constant 0 : index
    %get3A_9 = arith.constant 0 : index
    %get3A_10 = vector.load %arg3[%get3A_8, %get3A_9] : memref<1000x16xf32, #tpu.memory_space<vmem>>, vector<1000x16xf32>
    %add3A = arith.addf %get3A_7, %get3A_10 : vector<1000x16xf32>
    %mul3A = vector.broadcast %get3A_4 : vector<1000x1xf32> to vector<1000x16xf32>
    %mul3A_11 = arith.mulf %mul3A, %add3A : vector<1000x16xf32>
    %sub3A = arith.subf %get3A_1, %mul3A_11 : vector<1000x16xf32>
    %tanh3A = math.tanh %sub3A : vector<1000x16xf32>
    %swap3A = arith.constant 0 : index
    %swap3A_12 = arith.constant 0 : index
    %swap3A_13 = vector.load %arg5[%swap3A, %swap3A_12] : memref<1000x16xf32, #tpu.memory_space<vmem>>, vector<1000x16xf32>
    tpu.vector_store %arg5[%swap3A, %swap3A_12], %tanh3A {strides = array<i32>} : memref<1000x16xf32, #tpu.memory_space<vmem>>, vector<1000x16xf32>,
    return
  }
  func.func @transform_0(%arg0: i32) -> (i32, i32) {
    %c0_i32 = arith.constant 0 : i32
    %c0_i32_0 = arith.constant 0 : i32
    return %arg0, %c0_i32 : i32, i32
  }
  func.func @transform_1(%arg0: i32) -> (i32, i32) {
    %c0_i32 = arith.constant 0 : i32
    %c0_i32_0 = arith.constant 0 : i32
    return %arg0, %c0_i32 : i32, i32
  }
  func.func @transform_2(%arg0: i32) -> (i32, i32) {
    %c0_i32 = arith.constant 0 : i32
    %c0_i32_0 = arith.constant 0 : i32
    return %arg0, %c0_i32 : i32, i32
  }
  func.func @transform_3(%arg0: i32) -> (i32, i32) {
    %c0_i32 = arith.constant 0 : i32
    %c0_i32_0 = arith.constant 0 : i32
    return %arg0, %c0_i32 : i32, i32
  }
  func.func @transform_4(%arg0: i32) -> (i32, i32) {
    %c0_i32 = arith.constant 0 : i32
    %c0_i32_0 = arith.constant 0 : i32
    return %arg0, %c0_i32 : i32, i32
  }
}

</mosaic_0001>

<sc_bundles>
// kernel: kernel.14.cloned.1.call-start
scs
__scs_entry_jumppad:
0x0: {  	(pc) =	sbr.rel $0x88, $3  }
0x1: {  	(tag) =	ssettag $0x0;
	lr =	simm.s32 $0x1  }
0x2: {  	[smem:$0x3F97] =	sst lr;
	_ =	strace $0xD0000000  }
0x3: {  	_ = 	snop  }
0x4: {  	_ = 	snop  }
0x5: {  	_ = 	snop  }
0x6: {  	_ = 	snop  }
0x7: {  	_ = 	snop  }
__scs_overlays_trampoline_lowered:
0x8: {  	[smem:$0x3FA6] =	sst s0  }
0x9: {  	[smem:$0x3FA7] =	sst s1  }
0xa: {  	[smem:$0x3FA8] =	sst s2  }
0xb: {  	[smem:$0x3FA9] =	sst s3  }
0xc: {  	[smem:$0x3FAA] =	sst s4  }
0xd: {  	[smem:$0x3FAB] =	sst s5  }
0xe: {  	[smem:$0x3FAC] =	sst s6  }
0xf: {  	[smem:$0x3FAD] =	sst s7  }
0x10: {  	[smem:$0x3FAE] =	sst s8  }
0x11: {  	[smem:$0x3FAF] =	sst s9;
	s0 =	simm.s32 @!p0 $0x0  }
0x12: {  	s1 =	sld [smem:$0x3F95];
	s0 =	simm.s32 @p0 $0x1  }
0x13: {  	[smem:$0x3FB0] =	sst s0;
	s0 =	simm.s32 @!p1 $0x0  }
0x14: {  	s2 =	sld [smem:$0x3F94];
	s0 =	simm.s32 @p1 $0x1  }
0x15: {  	[smem:$0x3FB1] =	sst s0;
	s0 =	simm.s32 @!p2 $0x0  }
0x16: {  	s3 =	sld [smem:$0x3FDB];
	s0 =	simm.s32 @p2 $0x1  }
0x17: {  	s4 =	simm.s32 $0x1BF5;
	[smem:$0x3FB3] =	sst s0  }
0x18: {  	s0 =	sld [smem:$0x3F96];
	_ =	swait.ge [sflag:s4], $0x0  }
0x19: {  	s7 =	sld [smem:$0x3F97]  }
0x1a: {  	s8 =	sadd.s32 $0xFFFFE003, lr  }
0x1b: {  	s9 =	sadd.s32 $0xFFFFFEF7, lr;
	s5 =	simm.s32 $0xFFFFFFFF;
	p2 =	slt.u32 s8, $0xFFFFF086  }
0x1c: {  	p1 =	slt.u32 s9, $0xF7A;
	s5 =	simm.s32 @!p2 $0x0  }
0x1d: {  	s5 =	simm.s32 @p1 $0x1;
	p0 =	seq.s32 s7, s2  }
0x1e: {  	s7 =	smul.u32 @!p0 $0xF7A, s2;
	p2 =	seq.s32 @!p0 s5, $0x0  }
0x1f: {  	s9 =	smul.u32 $0xF7A, s1;
	s8 =	simm.s32 @!p0 $0x1BF5;
	p2 =	por !p2, p0  }
0x20: {  	[sflag:s8] =	ssyncset.s32 @!p0 $0xFFFFF086;
	s6 =	sadd.s32 @!p0 s3, s7;
	s7 =	simm.s32 @!p0 $0x108  }
0x21: {  	s3 =	sadd.s32 s3, s9;
	s6 =	sadd.s32 @!p0 $0x88, s6;
	s7 =	simm.s32 @p2 $0x1082  }
0x22: {  	[simem:s7], [sflag:s8] =	dma.local @!p0 [hbm:s6], $0xF7A  }
0x23: {  	s9 =	sor.u32 $0xD0000000, s2;
	s6 =	simm.s32 $0x108;
	_ =	swait.ge @!p0 [sflag:s8], $0x0  }
0x24: {  	s3 =	sadd.s32 $0x88, s3;
	s6 =	simm.s32 @!p1 $0x1082;
	[sflag:s4] =	ssyncset.s32 $0xFFFFF086  }
0x25: {  	[simem:s6], [sflag:s4] =	dma.local [hbm:s3], $0xF7A  }
0x26: {  	[smem:$0x3F97] =	sst s1;
	(tag) =	ssettag s2;
	_ =	strace s9  }
0x27: {  	s1 =	sld [smem:$0x3FA7]  }
0x28: {  	s2 =	sld [smem:$0x3FA8]  }
0x29: {  	s4 =	sld [smem:$0x3FAA]  }
0x2a: {  	p0 =	seq.s32 s5, $0x0;
	s5 =	sld [smem:$0x3FAB]  }
0x2b: {  	s6 =	sld [smem:$0x3FAC]  }
0x2c: {  	s7 =	sld [smem:$0x3FAD]  }
0x2d: {  	s3 =	simm.s32 $0x108;
	s8 =	sld [smem:$0x3FAE]  }
0x2e: {  	s3 =	simm.s32 @!p0 $0x1082;
	s9 =	sld [smem:$0x3FAF]  }
0x2f: {  	lr =	sadd.s32 s0, s3;
	s0 =	sld [smem:$0x3FA6]  }
0x30: {  	s3 =	sld [smem:$0x3FA9]  }
0x31: {  	[smem:$0x3FB2] =	sst s10  }
0x32: {  	s10 =	sld [smem:$0x3FB0];
	_ =	sdelay $0x3  }
0x33: {  	p0 =	seq.s32 s10, $0x1;
	s10 =	sld [smem:$0x3FB2];
	_ =	sdelay $0x3  }
0x34: {  	[smem:$0x3FB2] =	sst s10  }
0x35: {  	s10 =	sld [smem:$0x3FB1];
	_ =	sdelay $0x3  }
0x36: {  	p1 =	seq.s32 s10, $0x1;
	s10 =	sld [smem:$0x3FB2];
	_ =	sdelay $0x3  }
0x37: {  	[smem:$0x3FB2] =	sst s10  }
0x38: {  	s10 =	sld [smem:$0x3FB3]  }
0x39: {  	_ = 	snop;
	(pc) =	sbr.ind lr, $3  }
0x3a: {  	_ = 	snop  }
0x3b: {  	_ = 	snop  }
0x3c: {  	p2 =	seq.s32 s10, $0x1;
	s10 =	sld [smem:$0x3FB2]  }
0x3d: {  	_ =	shalt  }
0x3e: {  	_ =	shalt  }
0x3f: {  	_ =	shalt  }
0x40: {  	_ =	shalt  }
0x41: {  	_ =	shalt  }
0x42: {  	_ =	shalt  }
0x43: {  	_ =	shalt  }
0x44: {  	_ =	shalt  }
0x45: {  	_ =	shalt  }
0x46: {  	_ =	shalt  }
0x47: {  	_ =	shalt  }
0x48: {  	_ =	shalt  }
0x49: {  	_ =	shalt  }
0x4a: {  	_ =	shalt  }
0x4b: {  	_ =	shalt  }
0x4c: {  	_ =	shalt  }
0x4d: {  	_ =	shalt  }
0x4e: {  	_ =	shalt  }
0x4f: {  	_ =	shalt  }
0x50: {  	_ =	shalt  }
0x51: {  	_ =	shalt  }
0x52: {  	_ =	shalt  }
0x53: {  	_ =	shalt  }
0x54: {  	_ =	shalt  }
0x55: {  	_ =	shalt  }
0x56: {  	_ =	shalt  }
0x57: {  	_ =	shalt  }
0x58: {  	_ =	shalt  }
0x59: {  	_ =	shalt  }
0x5a: {  	_ =	shalt  }
0x5b: {  	_ =	shalt  }
0x5c: {  	_ =	shalt  }
0x5d: {  	_ =	shalt  }
0x5e: {  	_ =	shalt  }
0x5f: {  	_ =	shalt  }
0x60: {  	_ =	shalt  }
0x61: {  	_ =	shalt  }
0x62: {  	_ =	shalt  }
0x63: {  	_ =	shalt  }
0x64: {  	_ =	shalt  }
0x65: {  	_ =	shalt  }
0x66: {  	_ =	shalt  }
0x67: {  	_ =	shalt  }
0x68: {  	_ =	shalt  }
0x69: {  	_ =	shalt  }
0x6a: {  	_ =	shalt  }
0x6b: {  	_ =	shalt  }
0x6c: {  	_ =	shalt  }
0x6d: {  	_ =	shalt  }
0x6e: {  	_ =	shalt  }
0x6f: {  	_ =	shalt  }
0x70: {  	_ =	shalt  }
0x71: {  	_ =	shalt  }
0x72: {  	_ =	shalt  }
0x73: {  	_ =	shalt  }
0x74: {  	_ =	shalt  }
0x75: {  	_ =	shalt  }
0x76: {  	_ =	shalt  }
0x77: {  	_ =	shalt  }
0x78: {  	_ =	shalt  }
0x79: {  	_ =	shalt  }
0x7a: {  	_ =	shalt  }
0x7b: {  	_ =	shalt  }
0x7c: {  	_ =	shalt  }
0x7d: {  	_ =	shalt  }
0x7e: {  	_ =	shalt  }
0x7f: {  	_ =	shalt  }
0x80: {  	_ =	shalt  }
0x81: {  	_ =	shalt  }
0x82: {  	_ =	shalt  }
0x83: {  	_ =	shalt  }
0x84: {  	_ =	shalt  }
0x85: {  	_ =	shalt  }
0x86: {  	_ =	shalt  }
0x87: {  	_ =	shalt  }
.Lfunc_end0:
.L_simem_size_0:
called_computation_lowered:
.L_overlay_start_0:
0x88: {  	s2 =	sld [smem:$0x3FD9]  }
0x89: {  	s3 =	sld [smem:$0x3FFE];
	_ =	sdelay $0x1  }
0x8a: {  	s1 =	srdreg.scid  }
0x8b: {  	s0 =	sand.u32 $0x1, s1  }
0x8c: {  	s17 =	sshll.u32 s0, $0xA;
	s2 =	sadd.s32 s3, s2  }
0x8d: {  	s2 =	sadd.s32 s2, s17  }
0x8e: {  	[smem:$0x3FBE] =	sst s2  }
0x8f: {  	_ = 	snop  }
0x90: {  	s2 =	sld [smem:$0x3FD0];
	(tm) =	ssettm $0x1  }
0x91: {  	s18 =	sld [smem:$0x3FFB];
	_ =	sdelay $0x3  }
0x92: {  	_ =	strace s18  }
0x93: {  	s3 =	sld [smem:$0x3FFC];
	_ =	sdelay $0x3  }
0x94: {  	_ =	strace s3  }
0x95: {  	s3 =	sld [smem:$0x3FFD];
	_ =	sdelay $0x3  }
0x96: {  	_ =	strace s3  }
0x97: {  	_ =	strace $0x8FFFFFFF  }
0x98: {  	s19 =	sld [smem:$0x3FDB];
	_ =	sdelay $0x1  }
0x99: {  	s4 =	simm.s32 $_scs_section_size  }
0x9a: {  	s5 =	simm.s32 $_size__tile_overlayer_lowered;
	s6 =	simm.s32 $_tile_overlayer_lowered  }
0x9b: {  	s22 =	simm.s32 $0x1BFF;
	s21 =	sshll.u32 s6, $0x1;
	s3 =	sadd.s32 s4, s19  }
0x9c: {  	s7 =	simm.s32 $0x0;
	s20 =	sshll.u32 s5, $0x1;
	s5 =	sadd.s32 s21, s3  }
0x9d: {  	[timem:s7], [sflag:s22] =	dma.local [hbm:s5], s20  }
0x9e: {  	_ =	swait.ge [sflag:s22], s20  }
0x9f: {  	s4 =	ssub.s32 $0x0, s20;
	[sflag:s22] =	ssyncset.done $0x0  }
0xa0: {  	[sflag:s22] =	ssyncadd.s32 s4;
	_ =	sdelay $0x1  }
0xa1: {  	s23 =	simm.s32 $0x1B8B  }
0xa2: {  	_ =	swait.ge [sflag:s23], $0x1  }
0xa3: {  	[sflag:s23] =	ssyncset.done $0x0  }
0xa4: {  	s25 =	simm.s32 $0x1B8E;
	s24 =	sld [smem:$0x3FFE];
	[sflag:s23] =	ssyncadd.s32 $0xFFFFFFFF  }
0xa5: {  	s26 =	simm.s32 $execute0_lowered;
	[smem:$0x3FD2] =	sst s25  }
0xa6: {  	s5 =	sshll.u32 s26, $0x1;
	_ =	strace $0x80000046;
	[dreg:$0x1] =	wrdreg $0xFFFFFFFF  }
0xa7: {  	s28 =	simm.s32 $_size_execute0_lowered;
	s3 =	sadd.s32 s3, s5;
	[dreg:$0x0] =	wrdreg $0x0  }
0xa8: {  	s5 =	sshll.u32 s28, $0x1;
	[dreg:$0x2] =	wrdreg s3  }
0xa9: {  	[dreg:$0x3] =	wrdreg s5  }
0xaa: {  	[dreg:$0x4] =	wrdreg $0xC0  }
0xab: {  	_ =	task [dreg:s7], $0x5FFFF  }
0xac: {  	[dreg:$0x1] =	wrdreg $0xFFFFFFFF  }
0xad: {  	[dreg:$0x0] =	wrdreg $0x60  }
0xae: {  	[dreg:$0x2] =	wrdreg s24  }
0xaf: {  	[dreg:$0x3] =	wrdreg s2  }
0xb0: {  	[dreg:$0x4] =	wrdreg $0x0  }
0xb1: {  	[dreg:$0x5] =	wrdreg $0x9  }
0xb2: {  	_ =	task.clear_ibuf [dreg:s7], $0x6FFFF;
	_ =	strace $0x90000046  }
0xb3: {  	s29 =	simm.s32 $0x9;
	_ =	strace $0x80000048  }
0xb4: {  	_ =	swait.ge [sflag:s29], $0x1  }
0xb5: {  	[sflag:s29] =	ssyncadd.s32 $0xFFFFFFFF  }
0xb6: {  	_ =	strace $0x90000048  }
0xb7: {  	_ =	sfence  }
0xb8: {  	s30 =	sld [smem:$0x0];
	_ =	sdelay $0x2  }
0xb9: {  	s31 =	sshll.u32 s1, $0xD;
	s1 =	sshrl.u32 s1, $0x2  }
0xba: {  	s3 =	sand.u32 $0x4000, s31;
	s1 =	sadd.s32 s1, s30  }
0xbb: {  	s0 =	sor.u32 s3, s0;
	s1 =	sshll.u32 s1, $0x11  }
0xbc: {  	s0 =	sor.u32 s1, s0  }
0xbd: {  	s0 =	sadd.s32 $0x8F2B, s0  }
0xbe: {  	[sflag:s0] =	ssyncadd.remote.s32 $0x1  }
0xbf: {  	_ =	sfence.sel $0xFFFF  }
0xc0: {  	[dreg:$0x0] =	wrdreg $0xFFFFFFFF;
	(pc) =	sbr.abs _section_cstart, $3  }
0xc1: {  	[dreg:$0x1] =	wrdreg $0xFFFFFFFF  }
0xc2: {  	_ =	task.clear_ibuf [dreg:s7], $0x2FFFF;
	_ =	strace $0x9FFFFFFF  }
0xc3: {  	(tm) =	ssettm $0x7FFFFFFF  }
tec
execute0_lowered:
.L_overlay_start_1:
0x0: {  	(tag) =	ssettag $0x1  }
0x1: {  	s5 =	rddreg [dreg:$0x0]  }
0x2: {  	s6 =	rddreg [dreg:$0x1]  }
0x3: {  	s2 =	rddreg [dreg:$0x2];
	s3 =	srdreg.scid  }
0x4: {  	s0 =	rddreg [dreg:$0x3];
	s1 =	stileid.u32  }
0x5: {  	s13 =	simm.s32 $0x2780;
	s14 =	simm.s32 $0x4F00;
	s15 =	simm.s32 $0x80  }
0x6: {  	s16 =	simm.s32 $0x7680;
	s17 =	simm.s32 $0x0;
	s7 =	sand.u32 $0x1, s3  }
0x7: {  	s3 =	simm.s32 $0x0;
	s8 =	smul.u32 $0x2780, s1;
	s31 =	sshll.u32 s1, $0x6  }
0x8: {  	s4 =	sshll.u32 s7, $0x4;
	[smem:$0x7FF] =	sst s3;
	s9 =	smul.u32 $0x27800, s7  }
0x9: {  	s7 =	ssub.s32 $0x2, s7;
	s4 =	sor.u32 s1, s4;
	_ =	strace $0x80000047  }
0xa: {  	s11 =	sshrl.u32 s7, $0x1;
	s30 =	sshrl.u32 s8, $0x3;
	s10 =	smul.u32 $0x4F0, s4  }
0xb: {  	s12 =	sadd.s32 s8, s2;
	s4 =	sadd.s32 $0x18200, s5;
	s9 =	sadd.s32 s8, s9  }
0xc: {  	s11 =	ssub.s32 s7, s11;
	s9 =	sshrl.u32 s9, $0x3;
	s10 =	sadd.s32 s10, s5  }
0xd: {  	s9 =	sadd.s32 s9, s5;
	s5 =	sadd.s32 s6, s30;
	s6 =	sor.u32 $0x1C01, s31  }
0xe: {  	s7 =	sadd.s32 $0xE400, s10;
	s8 =	sadd.s32 $0x4600, s10;
	s9 =	sadd.s32 $0x1D200, s9  }
0xf: {  	s10 =	smax.u32 s11, $0x1;
	s11 =	sshrl.u32 s12, $0x3;
	s12 =	simm.s32 $0x1  }
.LBB2_1:
0x10: {  	[spmem:s11], [sflag:s6] =	dma.local [hbm:s5], $0x4F0  }
0x11: {  	_ =	swait.ge [sflag:s12], $0x4F0  }
0x12: {  	[sflag:s12] =	ssyncset.done $0x0  }
0x13: {  	[sflag:s12] =	ssyncadd.s32 $0xFFFFFB10  }
0x14: {  	[tilespmem:s13], [sflag:$0x1] =	stream.linear.gather [hbm4b:s7+s3], $0x2780, $0x38;
	[tilespmem:$0x7E80] =	vst v63  }
0x15: {  	_ =	swait.ge [sflag:s12], $0x2780  }
0x16: {  	[sflag:s12] =	ssyncset.done $0x0  }
0x17: {  	[sflag:s12] =	ssyncadd.s32 $0xFFFFD880  }
0x18: {  	[tilespmem:s14], [sflag:$0x1] =	stream.linear.gather [hbm4b:s8+s3], $0x2780, $0x38;
	[tilespmem:$0x7E80] =	vst v63  }
0x19: {  	_ =	swait.ge [sflag:s12], $0x2780  }
0x1a: {  	[sflag:s12] =	ssyncset.done $0x0  }
0x1b: {  	[sflag:s12] =	ssyncadd.s32 $0xFFFFD880  }
0x1c: {  	s18 =	simm.s32 $0x2780;
	[bflag:$0x0] =	sbarrier.arrive $0xFFFF  }
0x1d: {  	[tilespmem:s16], [sflag:$0x1] =	stream.indirect.gather [hbm4b:s4+s15], $0x10, s18, s15, $0xb8;
	[tilespmem:$0x7E80] =	vst v63  }
0x1e: {  	_ =	swait.ge [sflag:s12], $0x800  }
0x1f: {  	[sflag:s12] =	ssyncset.done $0x0  }
0x20: {  	s31 =	simm.s32 $0x4F00;
	[sflag:s12] =	ssyncadd.s32 $0xFFFFF800  }
0x21: {  	[spmem:s2] =	stream.indirect.scatter.add.f32 [tilespmem:s16], [sflag:$0x1], $0x10, s31, s15, $0xb8;
	[tilespmem:$0x7E80] =	vst v63  }
0x22: {  	_ =	swait.ge [sflag:s12], $0x800  }
0x23: {  	s19 =	simm.s32 $0x400;
	s18 =	simm.s32 $0x80;
	[sflag:s12] =	ssyncset.done $0x0  }
.LBB2_2:
0x24: {  	s20 =	sadd.s32 $0x2780, s18  }
0x25: {  	[sflag:s12] =	ssyncadd.s32 $0xFFFFF800;
	s21 =	smov.u32 s19;
	s22 =	sadd.s32 $0x200, s19  }
0x26: {  	[tilespmem:s16], [sflag:$0x1] =	stream.indirect.gather [hbm4b:s4+s15], $0x10, s20, s15, $0xb8;
	[tilespmem:$0x7E80] =	vst v63  }
0x27: {  	p0 =	sne.s32 s19, $0x9C00;
	_ =	swait.ge [sflag:s12], $0x800  }
.Ltmp0:
0x28: {  	[sflag:s12] =	ssyncset.done $0x0;
	(pc) =	sbr.rel @p0 .LBB2_2-.Ltmp0, $4  }
0x29: {  	s18 =	sadd.s32 $0x4F00, s18;
	[sflag:s12] =	ssyncadd.s32 $0xFFFFF800  }
0x2a: {  	[spmem:s2] =	stream.indirect.scatter.add.f32 [tilespmem:s16], [sflag:$0x1], $0x10, s18, s15, $0xb8;
	[tilespmem:$0x7E80] =	vst v63  }
0x2b: {  	_ =	swait.ge [sflag:s12], $0x800  }
0x2c: {  	s19 =	smov.u32 s22;
	s18 =	sshra.s32 s21, $0x2;
	[sflag:s12] =	ssyncset.done $0x0  }
0x2d: {  	s19 =	sadd.s32 $0x2780, s18;
	[sflag:s12] =	ssyncadd.s32 $0xFFFFF800  }
0x2e: {  	[tilespmem:s16], [sflag:$0x1] =	stream.indirect.gather [hbm4b:s4+s15], $0x10, s19, s15, $0xb8;
	[tilespmem:$0x7E80] =	vst v63  }
0x2f: {  	_ =	swait.ge [sflag:s12], $0x800  }
0x30: {  	[sflag:s12] =	ssyncset.done $0x0  }
0x31: {  	s31 =	sadd.s32 $0x4F00, s18;
	[sflag:s12] =	ssyncadd.s32 $0xFFFFF800  }
0x32: {  	[spmem:s2] =	stream.indirect.scatter.add.f32 [tilespmem:s16], [sflag:$0x1], $0x10, s31, s15, $0xb8;
	[tilespmem:$0x7E80] =	vst v63  }
0x33: {  	_ =	swait.ge [sflag:s12], $0x800  }
0x34: {  	s17 =	sadd.s32 $0x1, s17;
	[sflag:s12] =	ssyncset.done $0x0  }
0x35: {  	p0 =	sne.s32 s17, s10;
	[sflag:s12] =	ssyncadd.s32 $0xFFFFF800  }
.Ltmp1:
0x36: {  	[bflag:$0x0] =	sbarrier.arrive $0xFFFF;
	(pc) =	sbr.rel @p0 .LBB2_1-.Ltmp1, $4  }
0x37: {  	[hbm:s9], [sflag:s6] =	dma.local [spmem:s11], $0x4F0  }
0x38: {  	_ =	swait.ge [sflag:s12], $0x4F0  }
0x39: {  	[sflag:s12] =	ssyncset.done $0x0  }
0x3a: {  	[sflag:s12] =	ssyncadd.s32 $0xFFFFFB10  }
0x3b: {  	_ =	sfence.sel $0x180000  }
0x3c: {  	[bflag:$0x0] =	sbarrier.arrive $0xFFFF  }
0x3d: {  	p0 =	sne.s32 s1, $0x0;
	_ =	strace $0x90000047  }
0x3e: {  	s0 =	sadd.s32 @!p0 $0x100000, s0;
	[bflag:$0x2] =	sbarrier.arrive $0xFFFF  }
0x3f: {  	[sflag:s0] =	ssyncadd.tile.s32 @!p0 $0x1;
	_ =	shalt  }
.Lfunc_end2:
_tile_overlayer_lowered:
.L_overlay_start_2:
0x40: {  	(tag) =	ssettag $0x2  }
0x41: {  	s0 =	rddreg [dreg:$0x0];
	s2 =	stileid.u32  }
0x42: {  	s1 =	rddreg [dreg:$0x1];
	p0 =	sne.s32 s2, $0x0  }
0x43: {  	s3 =	rddreg [dreg:$0x2];
	[bflag:$0x3] =	sbarrier.arrive $0xFFFF;
	s2 =	simm.s32 @!p0 $0x1C01  }
0x44: {  	[timem:s3], [sflag:s2] =	dma.local @!p0 [hbm:s0], s1  }
0x45: {  	s0 =	simm.s32 @!p0 $0x1  }
0x46: {  	_ =	swait.ge @!p0 [sflag:s0], s1  }
0x47: {  	s1 =	ssub.s32 @!p0 $0x0, s1;
	[sflag:s0] =	ssyncset.done @!p0 $0x0  }
0x48: {  	[sflag:s0] =	ssyncadd.s32 @!p0 s1  }
0x49: {  	[bflag:$0x3] =	sbarrier.arrive $0xFFFF  }
0x4a: {  	_ =	shalt  }

// kernel: kernel.17.cloned.1.call-start
scs
__scs_entry_jumppad:
0x0: {  	(pc) =	sbr.rel $0x88, $3  }
0x1: {  	(tag) =	ssettag $0x0;
	lr =	simm.s32 $0x1  }
0x2: {  	[smem:$0x3F97] =	sst lr;
	_ =	strace $0xD0000000  }
0x3: {  	_ = 	snop  }
0x4: {  	_ = 	snop  }
0x5: {  	_ = 	snop  }
0x6: {  	_ = 	snop  }
0x7: {  	_ = 	snop  }
__scs_overlays_trampoline_lowered:
0x8: {  	[smem:$0x3FA6] =	sst s0  }
0x9: {  	[smem:$0x3FA7] =	sst s1  }
0xa: {  	[smem:$0x3FA8] =	sst s2  }
0xb: {  	[smem:$0x3FA9] =	sst s3  }
0xc: {  	[smem:$0x3FAA] =	sst s4  }
0xd: {  	[smem:$0x3FAB] =	sst s5  }
0xe: {  	[smem:$0x3FAC] =	sst s6  }
0xf: {  	[smem:$0x3FAD] =	sst s7  }
0x10: {  	[smem:$0x3FAE] =	sst s8  }
0x11: {  	[smem:$0x3FAF] =	sst s9;
	s0 =	simm.s32 @!p0 $0x0  }
0x12: {  	s1 =	sld [smem:$0x3F95];
	s0 =	simm.s32 @p0 $0x1  }
0x13: {  	[smem:$0x3FB0] =	sst s0;
	s0 =	simm.s32 @!p1 $0x0  }
0x14: {  	s2 =	sld [smem:$0x3F94];
	s0 =	simm.s32 @p1 $0x1  }
0x15: {  	[smem:$0x3FB1] =	sst s0;
	s0 =	simm.s32 @!p2 $0x0  }
0x16: {  	s3 =	sld [smem:$0x3FDB];
	s0 =	simm.s32 @p2 $0x1  }
0x17: {  	s4 =	simm.s32 $0x1BF5;
	[smem:$0x3FB3] =	sst s0  }
0x18: {  	s0 =	sld [smem:$0x3F96];
	_ =	swait.ge [sflag:s4], $0x0  }
0x19: {  	s7 =	sld [smem:$0x3F97]  }
0x1a: {  	s8 =	sadd.s32 $0xFFFFE003, lr  }
0x1b: {  	s9 =	sadd.s32 $0xFFFFFEF7, lr;
	s5 =	simm.s32 $0xFFFFFFFF;
	p2 =	slt.u32 s8, $0xFFFFF086  }
0x1c: {  	p1 =	slt.u32 s9, $0xF7A;
	s5 =	simm.s32 @!p2 $0x0  }
0x1d: {  	s5 =	simm.s32 @p1 $0x1;
	p0 =	seq.s32 s7, s2  }
0x1e: {  	s7 =	smul.u32 @!p0 $0xF7A, s2;
	p2 =	seq.s32 @!p0 s5, $0x0  }
0x1f: {  	s9 =	smul.u32 $0xF7A, s1;
	s8 =	simm.s32 @!p0 $0x1BF5;
	p2 =	por !p2, p0  }
0x20: {  	[sflag:s8] =	ssyncset.s32 @!p0 $0xFFFFF086;
	s6 =	sadd.s32 @!p0 s3, s7;
	s7 =	simm.s32 @!p0 $0x108  }
0x21: {  	s3 =	sadd.s32 s3, s9;
	s6 =	sadd.s32 @!p0 $0x88, s6;
	s7 =	simm.s32 @p2 $0x1082  }
0x22: {  	[simem:s7], [sflag:s8] =	dma.local @!p0 [hbm:s6], $0xF7A  }
0x23: {  	s9 =	sor.u32 $0xD0000000, s2;
	s6 =	simm.s32 $0x108;
	_ =	swait.ge @!p0 [sflag:s8], $0x0  }
0x24: {  	s3 =	sadd.s32 $0x88, s3;
	s6 =	simm.s32 @!p1 $0x1082;
	[sflag:s4] =	ssyncset.s32 $0xFFFFF086  }
0x25: {  	[simem:s6], [sflag:s4] =	dma.local [hbm:s3], $0xF7A  }
0x26: {  	[smem:$0x3F97] =	sst s1;
	(tag) =	ssettag s2;
	_ =	strace s9  }
0x27: {  	s1 =	sld [smem:$0x3FA7]  }
0x28: {  	s2 =	sld [smem:$0x3FA8]  }
0x29: {  	s4 =	sld [smem:$0x3FAA]  }
0x2a: {  	p0 =	seq.s32 s5, $0x0;
	s5 =	sld [smem:$0x3FAB]  }
0x2b: {  	s6 =	sld [smem:$0x3FAC]  }
0x2c: {  	s7 =	sld [smem:$0x3FAD]  }
0x2d: {  	s3 =	simm.s32 $0x108;
	s8 =	sld [smem:$0x3FAE]  }
0x2e: {  	s3 =	simm.s32 @!p0 $0x1082;
	s9 =	sld [smem:$0x3FAF]  }
0x2f: {  	lr =	sadd.s32 s0, s3;
	s0 =	sld [smem:$0x3FA6]  }
0x30: {  	s3 =	sld [smem:$0x3FA9]  }
0x31: {  	[smem:$0x3FB2] =	sst s10  }
0x32: {  	s10 =	sld [smem:$0x3FB0];
	_ =	sdelay $0x3  }
0x33: {  	p0 =	seq.s32 s10, $0x1;
	s10 =	sld [smem:$0x3FB2];
	_ =	sdelay $0x3  }
0x34: {  	[smem:$0x3FB2] =	sst s10  }
0x35: {  	s10 =	sld [smem:$0x3FB1];
	_ =	sdelay $0x3  }
0x36: {  	p1 =	seq.s32 s10, $0x1;
	s10 =	sld [smem:$0x3FB2];
	_ =	sdelay $0x3  }
0x37: {  	[smem:$0x3FB2] =	sst s10  }
0x38: {  	s10 =	sld [smem:$0x3FB3]  }
0x39: {  	_ = 	snop;
	(pc) =	sbr.ind lr, $3  }
0x3a: {  	_ = 	snop  }
0x3b: {  	_ = 	snop  }
0x3c: {  	p2 =	seq.s32 s10, $0x1;
	s10 =	sld [smem:$0x3FB2]  }
0x3d: {  	_ =	shalt  }
0x3e: {  	_ =	shalt  }
0x3f: {  	_ =	shalt  }
0x40: {  	_ =	shalt  }
0x41: {  	_ =	shalt  }
0x42: {  	_ =	shalt  }
0x43: {  	_ =	shalt  }
0x44: {  	_ =	shalt  }
0x45: {  	_ =	shalt  }
0x46: {  	_ =	shalt  }
0x47: {  	_ =	shalt  }
0x48: {  	_ =	shalt  }
0x49: {  	_ =	shalt  }
0x4a: {  	_ =	shalt  }
0x4b: {  	_ =	shalt  }
0x4c: {  	_ =	shalt  }
0x4d: {  	_ =	shalt  }
0x4e: {  	_ =	shalt  }
0x4f: {  	_ =	shalt  }
0x50: {  	_ =	shalt  }
0x51: {  	_ =	shalt  }
0x52: {  	_ =	shalt  }
0x53: {  	_ =	shalt  }
0x54: {  	_ =	shalt  }
0x55: {  	_ =	shalt  }
0x56: {  	_ =	shalt  }
0x57: {  	_ =	shalt  }
0x58: {  	_ =	shalt  }
0x59: {  	_ =	shalt  }
0x5a: {  	_ =	shalt  }
0x5b: {  	_ =	shalt  }
0x5c: {  	_ =	shalt  }
0x5d: {  	_ =	shalt  }
0x5e: {  	_ =	shalt  }
0x5f: {  	_ =	shalt  }
0x60: {  	_ =	shalt  }
0x61: {  	_ =	shalt  }
0x62: {  	_ =	shalt  }
0x63: {  	_ =	shalt  }
0x64: {  	_ =	shalt  }
0x65: {  	_ =	shalt  }
0x66: {  	_ =	shalt  }
0x67: {  	_ =	shalt  }
0x68: {  	_ =	shalt  }
0x69: {  	_ =	shalt  }
0x6a: {  	_ =	shalt  }
0x6b: {  	_ =	shalt  }
0x6c: {  	_ =	shalt  }
0x6d: {  	_ =	shalt  }
0x6e: {  	_ =	shalt  }
0x6f: {  	_ =	shalt  }
0x70: {  	_ =	shalt  }
0x71: {  	_ =	shalt  }
0x72: {  	_ =	shalt  }
0x73: {  	_ =	shalt  }
0x74: {  	_ =	shalt  }
0x75: {  	_ =	shalt  }
0x76: {  	_ =	shalt  }
0x77: {  	_ =	shalt  }
0x78: {  	_ =	shalt  }
0x79: {  	_ =	shalt  }
0x7a: {  	_ =	shalt  }
0x7b: {  	_ =	shalt  }
0x7c: {  	_ =	shalt  }
0x7d: {  	_ =	shalt  }
0x7e: {  	_ =	shalt  }
0x7f: {  	_ =	shalt  }
0x80: {  	_ =	shalt  }
0x81: {  	_ =	shalt  }
0x82: {  	_ =	shalt  }
0x83: {  	_ =	shalt  }
0x84: {  	_ =	shalt  }
0x85: {  	_ =	shalt  }
0x86: {  	_ =	shalt  }
0x87: {  	_ =	shalt  }
.Lfunc_end0:
.L_simem_size_0:
called_computation.1_lowered:
.L_overlay_start_0:
0x88: {  	s2 =	sld [smem:$0x3FD9]  }
0x89: {  	s3 =	sld [smem:$0x3FFE];
	_ =	sdelay $0x1  }
0x8a: {  	s1 =	srdreg.scid  }
0x8b: {  	s0 =	sand.u32 $0x1, s1  }
0x8c: {  	s16 =	sshll.u32 s0, $0xA;
	s2 =	sadd.s32 s3, s2  }
0x8d: {  	s2 =	sadd.s32 s2, s16  }
0x8e: {  	[smem:$0x3FBE] =	sst s2  }
0x8f: {  	_ = 	snop  }
0x90: {  	(tm) =	ssettm $0x1  }
0x91: {  	s17 =	sld [smem:$0x3FFB];
	_ =	sdelay $0x3  }
0x92: {  	_ =	strace s17  }
0x93: {  	s2 =	sld [smem:$0x3FFC];
	_ =	sdelay $0x3  }
0x94: {  	_ =	strace s2  }
0x95: {  	s2 =	sld [smem:$0x3FFD];
	_ =	sdelay $0x3  }
0x96: {  	_ =	strace s2  }
0x97: {  	_ =	strace $0x8FFFFFFF  }
0x98: {  	s18 =	sld [smem:$0x3FDB];
	_ =	sdelay $0x1  }
0x99: {  	s19 =	simm.s32 $_scs_section_size  }
0x9a: {  	s4 =	simm.s32 $_size__tile_overlayer_lowered;
	s5 =	simm.s32 $_tile_overlayer_lowered  }
0x9b: {  	s22 =	simm.s32 $0x1BFF;
	s21 =	sshll.u32 s5, $0x1;
	s2 =	sadd.s32 s19, s18  }
0x9c: {  	s6 =	simm.s32 $0x0;
	s20 =	sshll.u32 s4, $0x1;
	s4 =	sadd.s32 s21, s2  }
0x9d: {  	[timem:s6], [sflag:s22] =	dma.local [hbm:s4], s20  }
0x9e: {  	_ =	swait.ge [sflag:s22], s20  }
0x9f: {  	s3 =	ssub.s32 $0x0, s20;
	[sflag:s22] =	ssyncset.done $0x0  }
0xa0: {  	[sflag:s22] =	ssyncadd.s32 s3;
	_ =	sdelay $0x1  }
0xa1: {  	s23 =	simm.s32 $0x1B8B  }
0xa2: {  	_ =	swait.ge [sflag:s23], $0x1  }
0xa3: {  	[sflag:s23] =	ssyncset.done $0x0  }
0xa4: {  	s25 =	simm.s32 $0x1B8E;
	s24 =	sld [smem:$0x3FFE];
	[sflag:s23] =	ssyncadd.s32 $0xFFFFFFFF  }
0xa5: {  	s26 =	simm.s32 $execute0_lowered;
	[smem:$0x3FD2] =	sst s25  }
0xa6: {  	s4 =	sshll.u32 s26, $0x1;
	_ =	strace $0x80000049;
	[dreg:$0x1] =	wrdreg $0xFFFFFFFF  }
0xa7: {  	s28 =	simm.s32 $_size_execute0_lowered;
	s2 =	sadd.s32 s2, s4;
	[dreg:$0x0] =	wrdreg $0x0  }
0xa8: {  	s4 =	sshll.u32 s28, $0x1;
	[dreg:$0x2] =	wrdreg s2  }
0xa9: {  	[dreg:$0x3] =	wrdreg s4  }
0xaa: {  	[dreg:$0x4] =	wrdreg $0xC0  }
0xab: {  	_ =	task [dreg:s6], $0x5FFFF  }
0xac: {  	[dreg:$0x1] =	wrdreg $0xFFFFFFFF  }
0xad: {  	[dreg:$0x0] =	wrdreg $0x60  }
0xae: {  	[dreg:$0x2] =	wrdreg s24  }
0xaf: {  	[dreg:$0x3] =	wrdreg $0x0  }
0xb0: {  	[dreg:$0x4] =	wrdreg $0x9  }
0xb1: {  	_ =	task.clear_ibuf [dreg:s6], $0x5FFFF;
	_ =	strace $0x90000049  }
0xb2: {  	s29 =	simm.s32 $0x9;
	_ =	strace $0x8000004B  }
0xb3: {  	_ =	swait.ge [sflag:s29], $0x1  }
0xb4: {  	[sflag:s29] =	ssyncadd.s32 $0xFFFFFFFF  }
0xb5: {  	_ =	strace $0x9000004B  }
0xb6: {  	_ =	sfence  }
0xb7: {  	s30 =	sld [smem:$0x0];
	_ =	sdelay $0x2  }
0xb8: {  	s31 =	sshll.u32 s1, $0xD;
	s1 =	sshrl.u32 s1, $0x2  }
0xb9: {  	s3 =	sand.u32 $0x4000, s31;
	s1 =	sadd.s32 s1, s30  }
0xba: {  	s0 =	sor.u32 s3, s0;
	s1 =	sshll.u32 s1, $0x11  }
0xbb: {  	s0 =	sor.u32 s1, s0  }
0xbc: {  	s0 =	sadd.s32 $0x8F2B, s0  }
0xbd: {  	[sflag:s0] =	ssyncadd.remote.s32 $0x1  }
0xbe: {  	_ =	sfence.sel $0xFFFF  }
0xbf: {  	[dreg:$0x0] =	wrdreg $0xFFFFFFFF;
	(pc) =	sbr.abs _section_cstart, $3  }
0xc0: {  	[dreg:$0x1] =	wrdreg $0xFFFFFFFF  }
0xc1: {  	_ =	task.clear_ibuf [dreg:s6], $0x2FFFF;
	_ =	strace $0x9FFFFFFF  }
0xc2: {  	(tm) =	ssettm $0x7FFFFFFF  }
0xc3: {  	_ =	shalt  }
tec
execute0_lowered:
.L_overlay_start_1:
0x0: {  	(tag) =	ssettag $0x1  }
0x1: {  	s0 =	srdreg.scid;
	s6 =	rddreg [dreg:$0x0]  }
0x2: {  	s2 =	rddreg [dreg:$0x1];
	s3 =	simm.s32 $0x0;
	s14 =	simm.s32 $0x16400  }
0x3: {  	s15 =	simm.s32 $0x80;
	s5 =	sand.u32 $0x1, s0;
	s0 =	stileid.u32  }
0x4: {  	s16 =	simm.s32 $0x18C00;
	s17 =	simm.s32 $0x0;
	s8 =	smul.u32 $0x13C00, s0  }
0x5: {  	[smem:$0x7FF] =	sst s3;
	s1 =	sshll.u32 s5, $0x4;
	s9 =	smul.u32 $0x13C000, s5  }
0x6: {  	s5 =	ssub.s32 $0x2, s5;
	s29 =	smul.u32 $0x4F000, s0;
	s31 =	sshll.u32 s0, $0x6  }
0x7: {  	s4 =	sor.u32 s0, s1;
	s1 =	rddreg [dreg:$0x2];
	_ =	strace $0x8000004A  }
0x8: {  	s11 =	sshrl.u32 s5, $0x1;
	s7 =	smul.u32 $0x500, s4;
	s4 =	sadd.s32 $0x62200, s6  }
0x9: {  	s28 =	sshrl.u32 s8, $0x3;
	s8 =	sadd.s32 s8, s9;
	s30 =	sshrl.u32 s29, $0x2  }
0xa: {  	s11 =	ssub.s32 s5, s11;
	s8 =	sshrl.u32 s8, $0x3;
	s13 =	sadd.s32 s30, s2  }
0xb: {  	s10 =	sadd.s32 s7, s6;
	s7 =	sadd.s32 s28, s6;
	s12 =	sadd.s32 s8, s6  }
0xc: {  	s6 =	sor.u32 $0x1C01, s31;
	s5 =	sadd.s32 $0x89400, s7;
	s7 =	sadd.s32 $0x31000, s10  }
0xd: {  	s8 =	sadd.s32 $0x27000, s10;
	s9 =	sadd.s32 $0xB0C00, s12;
	s10 =	smax.u32 s11, $0x1  }
0xe: {  	s11 =	sshrl.u32 s13, $0x3;
	s12 =	simm.s32 $0x1;
	s13 =	simm.s32 $0x13C00  }
.LBB2_1:
0xf: {  	[spmem:s11], [sflag:s6] =	dma.local [hbm:s5], $0x2780  }
0x10: {  	_ =	swait.ge [sflag:s12], $0x2780  }
0x11: {  	[sflag:s12] =	ssyncset.done $0x0  }
0x12: {  	[sflag:s12] =	ssyncadd.s32 $0xFFFFD880  }
0x13: {  	[tilespmem:s13], [sflag:$0x1] =	stream.linear.gather [hbm4b:s7+s3], $0x2780, $0x38;
	[tilespmem:$0x1CC00] =	vst v63  }
0x14: {  	_ =	swait.ge [sflag:s12], $0x2780  }
0x15: {  	[sflag:s12] =	ssyncset.done $0x0  }
0x16: {  	[sflag:s12] =	ssyncadd.s32 $0xFFFFD880  }
0x17: {  	[tilespmem:s14], [sflag:$0x1] =	stream.linear.gather [hbm4b:s8+s3], $0x2780, $0x38;
	[tilespmem:$0x1CC00] =	vst v63  }
0x18: {  	_ =	swait.ge [sflag:s12], $0x2780  }
0x19: {  	[sflag:s12] =	ssyncset.done $0x0  }
0x1a: {  	[sflag:s12] =	ssyncadd.s32 $0xFFFFD880  }
0x1b: {  	s18 =	simm.s32 $0x13C00;
	[bflag:$0x0] =	sbarrier.arrive $0xFFFF  }
0x1c: {  	[tilespmem:s16], [sflag:$0x1] =	stream.indirect.gather [hbm4b:s4+s15], $0x80, s18, s15, $0xb8;
	[tilespmem:$0x1CC00] =	vst v63  }
0x1d: {  	_ =	swait.ge [sflag:s12], $0x4000  }
0x1e: {  	[sflag:s12] =	ssyncset.done $0x0  }
0x1f: {  	s31 =	simm.s32 $0x16400;
	[sflag:s12] =	ssyncadd.s32 $0xFFFFC000  }
0x20: {  	[spmem:s2] =	stream.indirect.scatter.add.f32 [tilespmem:s16], [sflag:$0x1], $0x80, s31, s15, $0xb8;
	[tilespmem:$0x1CC00] =	vst v63  }
0x21: {  	_ =	swait.ge [sflag:s12], $0x4000  }
0x22: {  	s19 =	simm.s32 $0x400;
	s18 =	simm.s32 $0x80;
	[sflag:s12] =	ssyncset.done $0x0  }
.LBB2_2:
0x23: {  	s20 =	sadd.s32 $0x13C00, s18  }
0x24: {  	[sflag:s12] =	ssyncadd.s32 $0xFFFFC000;
	s21 =	smov.u32 s19;
	s22 =	sadd.s32 $0x200, s19  }
0x25: {  	[tilespmem:s16], [sflag:$0x1] =	stream.indirect.gather [hbm4b:s4+s15], $0x80, s20, s15, $0xb8;
	[tilespmem:$0x1CC00] =	vst v63  }
0x26: {  	p0 =	sne.s32 s19, $0x9C00;
	_ =	swait.ge [sflag:s12], $0x4000  }
.Ltmp0:
0x27: {  	[sflag:s12] =	ssyncset.done $0x0;
	(pc) =	sbr.rel @p0 .LBB2_2-.Ltmp0, $4  }
0x28: {  	s18 =	sadd.s32 $0x16400, s18;
	[sflag:s12] =	ssyncadd.s32 $0xFFFFC000  }
0x29: {  	[spmem:s2] =	stream.indirect.scatter.add.f32 [tilespmem:s16], [sflag:$0x1], $0x80, s18, s15, $0xb8;
	[tilespmem:$0x1CC00] =	vst v63  }
0x2a: {  	_ =	swait.ge [sflag:s12], $0x4000  }
0x2b: {  	s19 =	smov.u32 s22;
	s18 =	sshra.s32 s21, $0x2;
	[sflag:s12] =	ssyncset.done $0x0  }
0x2c: {  	s19 =	sadd.s32 $0x13C00, s18;
	[sflag:s12] =	ssyncadd.s32 $0xFFFFC000  }
0x2d: {  	[tilespmem:s16], [sflag:$0x1] =	stream.indirect.gather [hbm4b:s4+s15], $0x80, s19, s15, $0xb8;
	[tilespmem:$0x1CC00] =	vst v63  }
0x2e: {  	_ =	swait.ge [sflag:s12], $0x4000  }
0x2f: {  	[sflag:s12] =	ssyncset.done $0x0  }
0x30: {  	s31 =	sadd.s32 $0x16400, s18;
	[sflag:s12] =	ssyncadd.s32 $0xFFFFC000  }
0x31: {  	[spmem:s2] =	stream.indirect.scatter.add.f32 [tilespmem:s16], [sflag:$0x1], $0x80, s31, s15, $0xb8;
	[tilespmem:$0x1CC00] =	vst v63  }
0x32: {  	_ =	swait.ge [sflag:s12], $0x4000  }
0x33: {  	s17 =	sadd.s32 $0x1, s17;
	[sflag:s12] =	ssyncset.done $0x0  }
0x34: {  	p0 =	sne.s32 s17, s10;
	[sflag:s12] =	ssyncadd.s32 $0xFFFFC000  }
.Ltmp1:
0x35: {  	[bflag:$0x0] =	sbarrier.arrive $0xFFFF;
	(pc) =	sbr.rel @p0 .LBB2_1-.Ltmp1, $4  }
0x36: {  	[hbm:s9], [sflag:s6] =	dma.local [spmem:s11], $0x2780  }
0x37: {  	_ =	swait.ge [sflag:s12], $0x2780  }
0x38: {  	[sflag:s12] =	ssyncset.done $0x0  }
0x39: {  	[sflag:s12] =	ssyncadd.s32 $0xFFFFD880  }
0x3a: {  	_ =	sfence.sel $0x180000  }
0x3b: {  	[bflag:$0x0] =	sbarrier.arrive $0xFFFF  }
0x3c: {  	p0 =	sne.s32 s0, $0x0;
	_ =	strace $0x9000004A  }
0x3d: {  	s0 =	sadd.s32 @!p0 $0x100000, s1;
	[bflag:$0x2] =	sbarrier.arrive $0xFFFF  }
0x3e: {  	[sflag:s0] =	ssyncadd.tile.s32 @!p0 $0x1;
	_ =	shalt  }
.Lfunc_end2:
_tile_overlayer_lowered:
.L_overlay_start_2:
0x3f: {  	(tag) =	ssettag $0x2  }
0x40: {  	s0 =	rddreg [dreg:$0x0];
	s2 =	stileid.u32  }
0x41: {  	s1 =	rddreg [dreg:$0x1];
	p0 =	sne.s32 s2, $0x0  }
0x42: {  	s3 =	rddreg [dreg:$0x2];
	[bflag:$0x3] =	sbarrier.arrive $0xFFFF;
	s2 =	simm.s32 @!p0 $0x1C01  }
0x43: {  	[timem:s3], [sflag:s2] =	dma.local @!p0 [hbm:s0], s1  }
0x44: {  	s0 =	simm.s32 @!p0 $0x1  }
0x45: {  	_ =	swait.ge @!p0 [sflag:s0], s1  }
0x46: {  	s1 =	ssub.s32 @!p0 $0x0, s1;
	[sflag:s0] =	ssyncset.done @!p0 $0x0  }
0x47: {  	[sflag:s0] =	ssyncadd.s32 @!p0 s1  }
0x48: {  	[bflag:$0x3] =	sbarrier.arrive $0xFFFF  }
0x49: {  	_ =	shalt  }

// kernel: kernel.20.cloned.1.call-start
scs
__scs_entry_jumppad:
0x0: {  	(pc) =	sbr.rel $0x88, $3  }
0x1: {  	(tag) =	ssettag $0x0;
	lr =	simm.s32 $0x1  }
0x2: {  	[smem:$0x3F97] =	sst lr;
	_ =	strace $0xD0000000  }
0x3: {  	_ = 	snop  }
0x4: {  	_ = 	snop  }
0x5: {  	_ = 	snop  }
0x6: {  	_ = 	snop  }
0x7: {  	_ = 	snop  }
__scs_overlays_trampoline_lowered:
0x8: {  	[smem:$0x3FA6] =	sst s0  }
0x9: {  	[smem:$0x3FA7] =	sst s1  }
0xa: {  	[smem:$0x3FA8] =	sst s2  }
0xb: {  	[smem:$0x3FA9] =	sst s3  }
0xc: {  	[smem:$0x3FAA] =	sst s4  }
0xd: {  	[smem:$0x3FAB] =	sst s5  }
0xe: {  	[smem:$0x3FAC] =	sst s6  }
0xf: {  	[smem:$0x3FAD] =	sst s7  }
0x10: {  	[smem:$0x3FAE] =	sst s8  }
0x11: {  	[smem:$0x3FAF] =	sst s9;
	s0 =	simm.s32 @!p0 $0x0  }
0x12: {  	s1 =	sld [smem:$0x3F95];
	s0 =	simm.s32 @p0 $0x1  }
0x13: {  	[smem:$0x3FB0] =	sst s0;
	s0 =	simm.s32 @!p1 $0x0  }
0x14: {  	s2 =	sld [smem:$0x3F94];
	s0 =	simm.s32 @p1 $0x1  }
0x15: {  	[smem:$0x3FB1] =	sst s0;
	s0 =	simm.s32 @!p2 $0x0  }
0x16: {  	s3 =	sld [smem:$0x3FDB];
	s0 =	simm.s32 @p2 $0x1  }
0x17: {  	s4 =	simm.s32 $0x1BF5;
	[smem:$0x3FB3] =	sst s0  }
0x18: {  	s0 =	sld [smem:$0x3F96];
	_ =	swait.ge [sflag:s4], $0x0  }
0x19: {  	s7 =	sld [smem:$0x3F97]  }
0x1a: {  	s8 =	sadd.s32 $0xFFFFE003, lr  }
0x1b: {  	s9 =	sadd.s32 $0xFFFFFEF7, lr;
	s5 =	simm.s32 $0xFFFFFFFF;
	p2 =	slt.u32 s8, $0xFFFFF086  }
0x1c: {  	p1 =	slt.u32 s9, $0xF7A;
	s5 =	simm.s32 @!p2 $0x0  }
0x1d: {  	s5 =	simm.s32 @p1 $0x1;
	p0 =	seq.s32 s7, s2  }
0x1e: {  	s7 =	smul.u32 @!p0 $0xF7A, s2;
	p2 =	seq.s32 @!p0 s5, $0x0  }
0x1f: {  	s9 =	smul.u32 $0xF7A, s1;
	s8 =	simm.s32 @!p0 $0x1BF5;
	p2 =	por !p2, p0  }
0x20: {  	[sflag:s8] =	ssyncset.s32 @!p0 $0xFFFFF086;
	s6 =	sadd.s32 @!p0 s3, s7;
	s7 =	simm.s32 @!p0 $0x108  }
0x21: {  	s3 =	sadd.s32 s3, s9;
	s6 =	sadd.s32 @!p0 $0x88, s6;
	s7 =	simm.s32 @p2 $0x1082  }
0x22: {  	[simem:s7], [sflag:s8] =	dma.local @!p0 [hbm:s6], $0xF7A  }
0x23: {  	s9 =	sor.u32 $0xD0000000, s2;
	s6 =	simm.s32 $0x108;
	_ =	swait.ge @!p0 [sflag:s8], $0x0  }
0x24: {  	s3 =	sadd.s32 $0x88, s3;
	s6 =	simm.s32 @!p1 $0x1082;
	[sflag:s4] =	ssyncset.s32 $0xFFFFF086  }
0x25: {  	[simem:s6], [sflag:s4] =	dma.local [hbm:s3], $0xF7A  }
0x26: {  	[smem:$0x3F97] =	sst s1;
	(tag) =	ssettag s2;
	_ =	strace s9  }
0x27: {  	s1 =	sld [smem:$0x3FA7]  }
0x28: {  	s2 =	sld [smem:$0x3FA8]  }
0x29: {  	s4 =	sld [smem:$0x3FAA]  }
0x2a: {  	p0 =	seq.s32 s5, $0x0;
	s5 =	sld [smem:$0x3FAB]  }
0x2b: {  	s6 =	sld [smem:$0x3FAC]  }
0x2c: {  	s7 =	sld [smem:$0x3FAD]  }
0x2d: {  	s3 =	simm.s32 $0x108;
	s8 =	sld [smem:$0x3FAE]  }
0x2e: {  	s3 =	simm.s32 @!p0 $0x1082;
	s9 =	sld [smem:$0x3FAF]  }
0x2f: {  	lr =	sadd.s32 s0, s3;
	s0 =	sld [smem:$0x3FA6]  }
0x30: {  	s3 =	sld [smem:$0x3FA9]  }
0x31: {  	[smem:$0x3FB2] =	sst s10  }
0x32: {  	s10 =	sld [smem:$0x3FB0];
	_ =	sdelay $0x3  }
0x33: {  	p0 =	seq.s32 s10, $0x1;
	s10 =	sld [smem:$0x3FB2];
	_ =	sdelay $0x3  }
0x34: {  	[smem:$0x3FB2] =	sst s10  }
0x35: {  	s10 =	sld [smem:$0x3FB1];
	_ =	sdelay $0x3  }
0x36: {  	p1 =	seq.s32 s10, $0x1;
	s10 =	sld [smem:$0x3FB2];
	_ =	sdelay $0x3  }
0x37: {  	[smem:$0x3FB2] =	sst s10  }
0x38: {  	s10 =	sld [smem:$0x3FB3]  }
0x39: {  	_ = 	snop;
	(pc) =	sbr.ind lr, $3  }
0x3a: {  	_ = 	snop  }
0x3b: {  	_ = 	snop  }
0x3c: {  	p2 =	seq.s32 s10, $0x1;
	s10 =	sld [smem:$0x3FB2]  }
0x3d: {  	_ =	shalt  }
0x3e: {  	_ =	shalt  }
0x3f: {  	_ =	shalt  }
0x40: {  	_ =	shalt  }
0x41: {  	_ =	shalt  }
0x42: {  	_ =	shalt  }
0x43: {  	_ =	shalt  }
0x44: {  	_ =	shalt  }
0x45: {  	_ =	shalt  }
0x46: {  	_ =	shalt  }
0x47: {  	_ =	shalt  }
0x48: {  	_ =	shalt  }
0x49: {  	_ =	shalt  }
0x4a: {  	_ =	shalt  }
0x4b: {  	_ =	shalt  }
0x4c: {  	_ =	shalt  }
0x4d: {  	_ =	shalt  }
0x4e: {  	_ =	shalt  }
0x4f: {  	_ =	shalt  }
0x50: {  	_ =	shalt  }
0x51: {  	_ =	shalt  }
0x52: {  	_ =	shalt  }
0x53: {  	_ =	shalt  }
0x54: {  	_ =	shalt  }
0x55: {  	_ =	shalt  }
0x56: {  	_ =	shalt  }
0x57: {  	_ =	shalt  }
0x58: {  	_ =	shalt  }
0x59: {  	_ =	shalt  }
0x5a: {  	_ =	shalt  }
0x5b: {  	_ =	shalt  }
0x5c: {  	_ =	shalt  }
0x5d: {  	_ =	shalt  }
0x5e: {  	_ =	shalt  }
0x5f: {  	_ =	shalt  }
0x60: {  	_ =	shalt  }
0x61: {  	_ =	shalt  }
0x62: {  	_ =	shalt  }
0x63: {  	_ =	shalt  }
0x64: {  	_ =	shalt  }
0x65: {  	_ =	shalt  }
0x66: {  	_ =	shalt  }
0x67: {  	_ =	shalt  }
0x68: {  	_ =	shalt  }
0x69: {  	_ =	shalt  }
0x6a: {  	_ =	shalt  }
0x6b: {  	_ =	shalt  }
0x6c: {  	_ =	shalt  }
0x6d: {  	_ =	shalt  }
0x6e: {  	_ =	shalt  }
0x6f: {  	_ =	shalt  }
0x70: {  	_ =	shalt  }
0x71: {  	_ =	shalt  }
0x72: {  	_ =	shalt  }
0x73: {  	_ =	shalt  }
0x74: {  	_ =	shalt  }
0x75: {  	_ =	shalt  }
0x76: {  	_ =	shalt  }
0x77: {  	_ =	shalt  }
0x78: {  	_ =	shalt  }
0x79: {  	_ =	shalt  }
0x7a: {  	_ =	shalt  }
0x7b: {  	_ =	shalt  }
0x7c: {  	_ =	shalt  }
0x7d: {  	_ =	shalt  }
0x7e: {  	_ =	shalt  }
0x7f: {  	_ =	shalt  }
0x80: {  	_ =	shalt  }
0x81: {  	_ =	shalt  }
0x82: {  	_ =	shalt  }
0x83: {  	_ =	shalt  }
0x84: {  	_ =	shalt  }
0x85: {  	_ =	shalt  }
0x86: {  	_ =	shalt  }
0x87: {  	_ =	shalt  }
.Lfunc_end0:
.L_simem_size_0:
called_computation.2_lowered:
.L_overlay_start_0:
0x88: {  	s2 =	sld [smem:$0x3FD9]  }
0x89: {  	s3 =	sld [smem:$0x3FFE];
	_ =	sdelay $0x1  }
0x8a: {  	s1 =	srdreg.scid  }
0x8b: {  	s0 =	sand.u32 $0x1, s1  }
0x8c: {  	s16 =	sshll.u32 s0, $0xA;
	s2 =	sadd.s32 s3, s2  }
0x8d: {  	s2 =	sadd.s32 s2, s16  }
0x8e: {  	[smem:$0x3FBE] =	sst s2  }
0x8f: {  	_ = 	snop  }
0x90: {  	(tm) =	ssettm $0x1  }
0x91: {  	s17 =	sld [smem:$0x3FFB];
	_ =	sdelay $0x3  }
0x92: {  	_ =	strace s17  }
0x93: {  	s2 =	sld [smem:$0x3FFC];
	_ =	sdelay $0x3  }
0x94: {  	_ =	strace s2  }
0x95: {  	s2 =	sld [smem:$0x3FFD];
	_ =	sdelay $0x3  }
0x96: {  	_ =	strace s2  }
0x97: {  	_ =	strace $0x8FFFFFFF  }
0x98: {  	s18 =	sld [smem:$0x3FDB];
	_ =	sdelay $0x1  }
0x99: {  	s19 =	simm.s32 $_scs_section_size  }
0x9a: {  	s4 =	simm.s32 $_size__tile_overlayer_lowered;
	s5 =	simm.s32 $_tile_overlayer_lowered  }
0x9b: {  	s22 =	simm.s32 $0x1BFF;
	s21 =	sshll.u32 s5, $0x1;
	s2 =	sadd.s32 s19, s18  }
0x9c: {  	s6 =	simm.s32 $0x0;
	s20 =	sshll.u32 s4, $0x1;
	s4 =	sadd.s32 s21, s2  }
0x9d: {  	[timem:s6], [sflag:s22] =	dma.local [hbm:s4], s20  }
0x9e: {  	_ =	swait.ge [sflag:s22], s20  }
0x9f: {  	s3 =	ssub.s32 $0x0, s20;
	[sflag:s22] =	ssyncset.done $0x0  }
0xa0: {  	[sflag:s22] =	ssyncadd.s32 s3;
	_ =	sdelay $0x1  }
0xa1: {  	s23 =	simm.s32 $0x1B8B  }
0xa2: {  	_ =	swait.ge [sflag:s23], $0x1  }
0xa3: {  	[sflag:s23] =	ssyncset.done $0x0  }
0xa4: {  	s25 =	simm.s32 $0x1B8E;
	s24 =	sld [smem:$0x3FFE];
	[sflag:s23] =	ssyncadd.s32 $0xFFFFFFFF  }
0xa5: {  	s26 =	simm.s32 $execute0_lowered;
	[smem:$0x3FD2] =	sst s25  }
0xa6: {  	s4 =	sshll.u32 s26, $0x1;
	_ =	strace $0x8000004C;
	[dreg:$0x1] =	wrdreg $0xFFFFFFFF  }
0xa7: {  	s28 =	simm.s32 $_size_execute0_lowered;
	s2 =	sadd.s32 s2, s4;
	[dreg:$0x0] =	wrdreg $0x0  }
0xa8: {  	s4 =	sshll.u32 s28, $0x1;
	[dreg:$0x2] =	wrdreg s2  }
0xa9: {  	[dreg:$0x3] =	wrdreg s4  }
0xaa: {  	[dreg:$0x4] =	wrdreg $0xC0  }
0xab: {  	_ =	task [dreg:s6], $0x5FFFF  }
0xac: {  	[dreg:$0x1] =	wrdreg $0xFFFFFFFF  }
0xad: {  	[dreg:$0x0] =	wrdreg $0x60  }
0xae: {  	[dreg:$0x2] =	wrdreg s24  }
0xaf: {  	[dreg:$0x3] =	wrdreg $0x0  }
0xb0: {  	[dreg:$0x4] =	wrdreg $0x9  }
0xb1: {  	_ =	task.clear_ibuf [dreg:s6], $0x5FFFF;
	_ =	strace $0x9000004C  }
0xb2: {  	s29 =	simm.s32 $0x9;
	_ =	strace $0x8000004E  }
0xb3: {  	_ =	swait.ge [sflag:s29], $0x1  }
0xb4: {  	[sflag:s29] =	ssyncadd.s32 $0xFFFFFFFF  }
0xb5: {  	_ =	strace $0x9000004E  }
0xb6: {  	_ =	sfence  }
0xb7: {  	s30 =	sld [smem:$0x0];
	_ =	sdelay $0x2  }
0xb8: {  	s31 =	sshll.u32 s1, $0xD;
	s1 =	sshrl.u32 s1, $0x2  }
0xb9: {  	s3 =	sand.u32 $0x4000, s31;
	s1 =	sadd.s32 s1, s30  }
0xba: {  	s0 =	sor.u32 s3, s0;
	s1 =	sshll.u32 s1, $0x11  }
0xbb: {  	s0 =	sor.u32 s1, s0  }
0xbc: {  	s0 =	sadd.s32 $0x8F2B, s0  }
0xbd: {  	[sflag:s0] =	ssyncadd.remote.s32 $0x1  }
0xbe: {  	_ =	sfence.sel $0xFFFF  }
0xbf: {  	[dreg:$0x0] =	wrdreg $0xFFFFFFFF;
	(pc) =	sbr.abs _section_cstart, $3  }
0xc0: {  	[dreg:$0x1] =	wrdreg $0xFFFFFFFF  }
0xc1: {  	_ =	task.clear_ibuf [dreg:s6], $0x2FFFF;
	_ =	strace $0x9FFFFFFF  }
0xc2: {  	(tm) =	ssettm $0x7FFFFFFF  }
0xc3: {  	_ =	shalt  }
tec
execute0_lowered:
.L_overlay_start_1:
0x0: {  	(tag) =	ssettag $0x1  }
0x1: {  	s0 =	srdreg.scid;
	s6 =	rddreg [dreg:$0x0]  }
0x2: {  	s2 =	rddreg [dreg:$0x1];
	s3 =	simm.s32 $0x0;
	s14 =	simm.s32 $0x16400  }
0x3: {  	s15 =	simm.s32 $0x80;
	s5 =	sand.u32 $0x1, s0;
	s0 =	stileid.u32  }
0x4: {  	s16 =	simm.s32 $0x18C00;
	s17 =	simm.s32 $0x0;
	s8 =	smul.u32 $0x13C00, s0  }
0x5: {  	[smem:$0x7FF] =	sst s3;
	s1 =	sshll.u32 s5, $0x4;
	s9 =	smul.u32 $0x13C000, s5  }
0x6: {  	s5 =	ssub.s32 $0x2, s5;
	s29 =	smul.u32 $0x4F000, s0;
	s31 =	sshll.u32 s0, $0x6  }
0x7: {  	s4 =	sor.u32 s0, s1;
	s1 =	rddreg [dreg:$0x2];
	_ =	strace $0x8000004D  }
0x8: {  	s11 =	sshrl.u32 s5, $0x1;
	s7 =	smul.u32 $0x500, s4;
	s4 =	sadd.s32 $0x62200, s6  }
0x9: {  	s28 =	sshrl.u32 s8, $0x3;
	s8 =	sadd.s32 s8, s9;
	s30 =	sshrl.u32 s29, $0x2  }
0xa: {  	s11 =	ssub.s32 s5, s11;
	s8 =	sshrl.u32 s8, $0x3;
	s13 =	sadd.s32 s30, s2  }
0xb: {  	s10 =	sadd.s32 s7, s6;
	s7 =	sadd.s32 s28, s6;
	s12 =	sadd.s32 s8, s6  }
0xc: {  	s6 =	sor.u32 $0x1C01, s31;
	s5 =	sadd.s32 $0x89400, s7;
	s7 =	sadd.s32 $0x31000, s10  }
0xd: {  	s8 =	sadd.s32 $0x27000, s10;
	s9 =	sadd.s32 $0xB0C00, s12;
	s10 =	smax.u32 s11, $0x1  }
0xe: {  	s11 =	sshrl.u32 s13, $0x3;
	s12 =	simm.s32 $0x1;
	s13 =	simm.s32 $0x13C00  }
.LBB2_1:
0xf: {  	[spmem:s11], [sflag:s6] =	dma.local [hbm:s5], $0x2780  }
0x10: {  	_ =	swait.ge [sflag:s12], $0x2780  }
0x11: {  	[sflag:s12] =	ssyncset.done $0x0  }
0x12: {  	[sflag:s12] =	ssyncadd.s32 $0xFFFFD880  }
0x13: {  	[tilespmem:s13], [sflag:$0x1] =	stream.linear.gather [hbm4b:s7+s3], $0x2780, $0x38;
	[tilespmem:$0x1CC00] =	vst v63  }
0x14: {  	_ =	swait.ge [sflag:s12], $0x2780  }
0x15: {  	[sflag:s12] =	ssyncset.done $0x0  }
0x16: {  	[sflag:s12] =	ssyncadd.s32 $0xFFFFD880  }
0x17: {  	[tilespmem:s14], [sflag:$0x1] =	stream.linear.gather [hbm4b:s8+s3], $0x2780, $0x38;
	[tilespmem:$0x1CC00] =	vst v63  }
0x18: {  	_ =	swait.ge [sflag:s12], $0x2780  }
0x19: {  	[sflag:s12] =	ssyncset.done $0x0  }
0x1a: {  	[sflag:s12] =	ssyncadd.s32 $0xFFFFD880  }
0x1b: {  	s18 =	simm.s32 $0x13C00;
	[bflag:$0x0] =	sbarrier.arrive $0xFFFF  }
0x1c: {  	[tilespmem:s16], [sflag:$0x1] =	stream.indirect.gather [hbm4b:s4+s15], $0x80, s18, s15, $0xb8;
	[tilespmem:$0x1CC00] =	vst v63  }
0x1d: {  	_ =	swait.ge [sflag:s12], $0x4000  }
0x1e: {  	[sflag:s12] =	ssyncset.done $0x0  }
0x1f: {  	s31 =	simm.s32 $0x16400;
	[sflag:s12] =	ssyncadd.s32 $0xFFFFC000  }
0x20: {  	[spmem:s2] =	stream.indirect.scatter.add.f32 [tilespmem:s16], [sflag:$0x1], $0x80, s31, s15, $0xb8;
	[tilespmem:$0x1CC00] =	vst v63  }
0x21: {  	_ =	swait.ge [sflag:s12], $0x4000  }
0x22: {  	s19 =	simm.s32 $0x400;
	s18 =	simm.s32 $0x80;
	[sflag:s12] =	ssyncset.done $0x0  }
.LBB2_2:
0x23: {  	s20 =	sadd.s32 $0x13C00, s18  }
0x24: {  	[sflag:s12] =	ssyncadd.s32 $0xFFFFC000;
	s21 =	smov.u32 s19;
	s22 =	sadd.s32 $0x200, s19  }
0x25: {  	[tilespmem:s16], [sflag:$0x1] =	stream.indirect.gather [hbm4b:s4+s15], $0x80, s20, s15, $0xb8;
	[tilespmem:$0x1CC00] =	vst v63  }
0x26: {  	p0 =	sne.s32 s19, $0x9C00;
	_ =	swait.ge [sflag:s12], $0x4000  }
.Ltmp0:
0x27: {  	[sflag:s12] =	ssyncset.done $0x0;
	(pc) =	sbr.rel @p0 .LBB2_2-.Ltmp0, $4  }
0x28: {  	s18 =	sadd.s32 $0x16400, s18;
	[sflag:s12] =	ssyncadd.s32 $0xFFFFC000  }
0x29: {  	[spmem:s2] =	stream.indirect.scatter.add.f32 [tilespmem:s16], [sflag:$0x1], $0x80, s18, s15, $0xb8;
	[tilespmem:$0x1CC00] =	vst v63  }
0x2a: {  	_ =	swait.ge [sflag:s12], $0x4000  }
0x2b: {  	s19 =	smov.u32 s22;
	s18 =	sshra.s32 s21, $0x2;
	[sflag:s12] =	ssyncset.done $0x0  }
0x2c: {  	s19 =	sadd.s32 $0x13C00, s18;
	[sflag:s12] =	ssyncadd.s32 $0xFFFFC000  }
0x2d: {  	[tilespmem:s16], [sflag:$0x1] =	stream.indirect.gather [hbm4b:s4+s15], $0x80, s19, s15, $0xb8;
	[tilespmem:$0x1CC00] =	vst v63  }
0x2e: {  	_ =	swait.ge [sflag:s12], $0x4000  }
0x2f: {  	[sflag:s12] =	ssyncset.done $0x0  }
0x30: {  	s31 =	sadd.s32 $0x16400, s18;
	[sflag:s12] =	ssyncadd.s32 $0xFFFFC000  }
0x31: {  	[spmem:s2] =	stream.indirect.scatter.add.f32 [tilespmem:s16], [sflag:$0x1], $0x80, s31, s15, $0xb8;
	[tilespmem:$0x1CC00] =	vst v63  }
0x32: {  	_ =	swait.ge [sflag:s12], $0x4000  }
0x33: {  	s17 =	sadd.s32 $0x1, s17;
	[sflag:s12] =	ssyncset.done $0x0  }
0x34: {  	p0 =	sne.s32 s17, s10;
	[sflag:s12] =	ssyncadd.s32 $0xFFFFC000  }
.Ltmp1:
0x35: {  	[bflag:$0x0] =	sbarrier.arrive $0xFFFF;
	(pc) =	sbr.rel @p0 .LBB2_1-.Ltmp1, $4  }
0x36: {  	[hbm:s9], [sflag:s6] =	dma.local [spmem:s11], $0x2780  }
0x37: {  	_ =	swait.ge [sflag:s12], $0x2780  }
0x38: {  	[sflag:s12] =	ssyncset.done $0x0  }
0x39: {  	[sflag:s12] =	ssyncadd.s32 $0xFFFFD880  }
0x3a: {  	_ =	sfence.sel $0x180000  }
0x3b: {  	[bflag:$0x0] =	sbarrier.arrive $0xFFFF  }
0x3c: {  	p0 =	sne.s32 s0, $0x0;
	_ =	strace $0x9000004D  }
0x3d: {  	s0 =	sadd.s32 @!p0 $0x100000, s1;
	[bflag:$0x2] =	sbarrier.arrive $0xFFFF  }
0x3e: {  	[sflag:s0] =	ssyncadd.tile.s32 @!p0 $0x1;
	_ =	shalt  }
.Lfunc_end2:
_tile_overlayer_lowered:
.L_overlay_start_2:
0x3f: {  	(tag) =	ssettag $0x2  }
0x40: {  	s0 =	rddreg [dreg:$0x0];
	s2 =	stileid.u32  }
0x41: {  	s1 =	rddreg [dreg:$0x1];
	p0 =	sne.s32 s2, $0x0  }
0x42: {  	s3 =	rddreg [dreg:$0x2];
	[bflag:$0x3] =	sbarrier.arrive $0xFFFF;
	s2 =	simm.s32 @!p0 $0x1C01  }
0x43: {  	[timem:s3], [sflag:s2] =	dma.local @!p0 [hbm:s0], s1  }
0x44: {  	s0 =	simm.s32 @!p0 $0x1  }
0x45: {  	_ =	swait.ge @!p0 [sflag:s0], s1  }
0x46: {  	s1 =	ssub.s32 @!p0 $0x0, s1;
	[sflag:s0] =	ssyncset.done @!p0 $0x0  }
0x47: {  	[sflag:s0] =	ssyncadd.s32 @!p0 s1  }
0x48: {  	[bflag:$0x3] =	sbarrier.arrive $0xFFFF  }
0x49: {  	_ =	shalt  }

// kernel: kernel.23.cloned.1.call-start
scs
__scs_entry_jumppad:
0x0: {  	(pc) =	sbr.rel $0x88, $3  }
0x1: {  	(tag) =	ssettag $0x0;
	lr =	simm.s32 $0x1  }
0x2: {  	[smem:$0x3F97] =	sst lr;
	_ =	strace $0xD0000000  }
0x3: {  	_ = 	snop  }
0x4: {  	_ = 	snop  }
0x5: {  	_ = 	snop  }
0x6: {  	_ = 	snop  }
0x7: {  	_ = 	snop  }
__scs_overlays_trampoline_lowered:
0x8: {  	[smem:$0x3FA6] =	sst s0  }
0x9: {  	[smem:$0x3FA7] =	sst s1  }
0xa: {  	[smem:$0x3FA8] =	sst s2  }
0xb: {  	[smem:$0x3FA9] =	sst s3  }
0xc: {  	[smem:$0x3FAA] =	sst s4  }
0xd: {  	[smem:$0x3FAB] =	sst s5  }
0xe: {  	[smem:$0x3FAC] =	sst s6  }
0xf: {  	[smem:$0x3FAD] =	sst s7  }
0x10: {  	[smem:$0x3FAE] =	sst s8  }
0x11: {  	[smem:$0x3FAF] =	sst s9;
	s0 =	simm.s32 @!p0 $0x0  }
0x12: {  	s1 =	sld [smem:$0x3F95];
	s0 =	simm.s32 @p0 $0x1  }
0x13: {  	[smem:$0x3FB0] =	sst s0;
	s0 =	simm.s32 @!p1 $0x0  }
0x14: {  	s2 =	sld [smem:$0x3F94];
	s0 =	simm.s32 @p1 $0x1  }
0x15: {  	[smem:$0x3FB1] =	sst s0;
	s0 =	simm.s32 @!p2 $0x0  }
0x16: {  	s3 =	sld [smem:$0x3FDB];
	s0 =	simm.s32 @p2 $0x1  }
0x17: {  	s4 =	simm.s32 $0x1BF5;
	[smem:$0x3FB3] =	sst s0  }
0x18: {  	s0 =	sld [smem:$0x3F96];
	_ =	swait.ge [sflag:s4], $0x0  }
0x19: {  	s7 =	sld [smem:$0x3F97]  }
0x1a: {  	s8 =	sadd.s32 $0xFFFFE003, lr  }
0x1b: {  	s9 =	sadd.s32 $0xFFFFFEF7, lr;
	s5 =	simm.s32 $0xFFFFFFFF;
	p2 =	slt.u32 s8, $0xFFFFF086  }
0x1c: {  	p1 =	slt.u32 s9, $0xF7A;
	s5 =	simm.s32 @!p2 $0x0  }
0x1d: {  	s5 =	simm.s32 @p1 $0x1;
	p0 =	seq.s32 s7, s2  }
0x1e: {  	s7 =	smul.u32 @!p0 $0xF7A, s2;
	p2 =	seq.s32 @!p0 s5, $0x0  }
0x1f: {  	s9 =	smul.u32 $0xF7A, s1;
	s8 =	simm.s32 @!p0 $0x1BF5;
	p2 =	por !p2, p0  }
0x20: {  	[sflag:s8] =	ssyncset.s32 @!p0 $0xFFFFF086;
	s6 =	sadd.s32 @!p0 s3, s7;
	s7 =	simm.s32 @!p0 $0x108  }
0x21: {  	s3 =	sadd.s32 s3, s9;
	s6 =	sadd.s32 @!p0 $0x88, s6;
	s7 =	simm.s32 @p2 $0x1082  }
0x22: {  	[simem:s7], [sflag:s8] =	dma.local @!p0 [hbm:s6], $0xF7A  }
0x23: {  	s9 =	sor.u32 $0xD0000000, s2;
	s6 =	simm.s32 $0x108;
	_ =	swait.ge @!p0 [sflag:s8], $0x0  }
0x24: {  	s3 =	sadd.s32 $0x88, s3;
	s6 =	simm.s32 @!p1 $0x1082;
	[sflag:s4] =	ssyncset.s32 $0xFFFFF086  }
0x25: {  	[simem:s6], [sflag:s4] =	dma.local [hbm:s3], $0xF7A  }
0x26: {  	[smem:$0x3F97] =	sst s1;
	(tag) =	ssettag s2;
	_ =	strace s9  }
0x27: {  	s1 =	sld [smem:$0x3FA7]  }
0x28: {  	s2 =	sld [smem:$0x3FA8]  }
0x29: {  	s4 =	sld [smem:$0x3FAA]  }
0x2a: {  	p0 =	seq.s32 s5, $0x0;
	s5 =	sld [smem:$0x3FAB]  }
0x2b: {  	s6 =	sld [smem:$0x3FAC]  }
0x2c: {  	s7 =	sld [smem:$0x3FAD]  }
0x2d: {  	s3 =	simm.s32 $0x108;
	s8 =	sld [smem:$0x3FAE]  }
0x2e: {  	s3 =	simm.s32 @!p0 $0x1082;
	s9 =	sld [smem:$0x3FAF]  }
0x2f: {  	lr =	sadd.s32 s0, s3;
	s0 =	sld [smem:$0x3FA6]  }
0x30: {  	s3 =	sld [smem:$0x3FA9]  }
0x31: {  	[smem:$0x3FB2] =	sst s10  }
0x32: {  	s10 =	sld [smem:$0x3FB0];
	_ =	sdelay $0x3  }
0x33: {  	p0 =	seq.s32 s10, $0x1;
	s10 =	sld [smem:$0x3FB2];
	_ =	sdelay $0x3  }
0x34: {  	[smem:$0x3FB2] =	sst s10  }
0x35: {  	s10 =	sld [smem:$0x3FB1];
	_ =	sdelay $0x3  }
0x36: {  	p1 =	seq.s32 s10, $0x1;
	s10 =	sld [smem:$0x3FB2];
	_ =	sdelay $0x3  }
0x37: {  	[smem:$0x3FB2] =	sst s10  }
0x38: {  	s10 =	sld [smem:$0x3FB3]  }
0x39: {  	_ = 	snop;
	(pc) =	sbr.ind lr, $3  }
0x3a: {  	_ = 	snop  }
0x3b: {  	_ = 	snop  }
0x3c: {  	p2 =	seq.s32 s10, $0x1;
	s10 =	sld [smem:$0x3FB2]  }
0x3d: {  	_ =	shalt  }
0x3e: {  	_ =	shalt  }
0x3f: {  	_ =	shalt  }
0x40: {  	_ =	shalt  }
0x41: {  	_ =	shalt  }
0x42: {  	_ =	shalt  }
0x43: {  	_ =	shalt  }
0x44: {  	_ =	shalt  }
0x45: {  	_ =	shalt  }
0x46: {  	_ =	shalt  }
0x47: {  	_ =	shalt  }
0x48: {  	_ =	shalt  }
0x49: {  	_ =	shalt  }
0x4a: {  	_ =	shalt  }
0x4b: {  	_ =	shalt  }
0x4c: {  	_ =	shalt  }
0x4d: {  	_ =	shalt  }
0x4e: {  	_ =	shalt  }
0x4f: {  	_ =	shalt  }
0x50: {  	_ =	shalt  }
0x51: {  	_ =	shalt  }
0x52: {  	_ =	shalt  }
0x53: {  	_ =	shalt  }
0x54: {  	_ =	shalt  }
0x55: {  	_ =	shalt  }
0x56: {  	_ =	shalt  }
0x57: {  	_ =	shalt  }
0x58: {  	_ =	shalt  }
0x59: {  	_ =	shalt  }
0x5a: {  	_ =	shalt  }
0x5b: {  	_ =	shalt  }
0x5c: {  	_ =	shalt  }
0x5d: {  	_ =	shalt  }
0x5e: {  	_ =	shalt  }
0x5f: {  	_ =	shalt  }
0x60: {  	_ =	shalt  }
0x61: {  	_ =	shalt  }
0x62: {  	_ =	shalt  }
0x63: {  	_ =	shalt  }
0x64: {  	_ =	shalt  }
0x65: {  	_ =	shalt  }
0x66: {  	_ =	shalt  }
0x67: {  	_ =	shalt  }
0x68: {  	_ =	shalt  }
0x69: {  	_ =	shalt  }
0x6a: {  	_ =	shalt  }
0x6b: {  	_ =	shalt  }
0x6c: {  	_ =	shalt  }
0x6d: {  	_ =	shalt  }
0x6e: {  	_ =	shalt  }
0x6f: {  	_ =	shalt  }
0x70: {  	_ =	shalt  }
0x71: {  	_ =	shalt  }
0x72: {  	_ =	shalt  }
0x73: {  	_ =	shalt  }
0x74: {  	_ =	shalt  }
0x75: {  	_ =	shalt  }
0x76: {  	_ =	shalt  }
0x77: {  	_ =	shalt  }
0x78: {  	_ =	shalt  }
0x79: {  	_ =	shalt  }
0x7a: {  	_ =	shalt  }
0x7b: {  	_ =	shalt  }
0x7c: {  	_ =	shalt  }
0x7d: {  	_ =	shalt  }
0x7e: {  	_ =	shalt  }
0x7f: {  	_ =	shalt  }
0x80: {  	_ =	shalt  }
0x81: {  	_ =	shalt  }
0x82: {  	_ =	shalt  }
0x83: {  	_ =	shalt  }
0x84: {  	_ =	shalt  }
0x85: {  	_ =	shalt  }
0x86: {  	_ =	shalt  }
0x87: {  	_ =	shalt  }
.Lfunc_end0:
.L_simem_size_0:
called_computation.3_lowered:
.L_overlay_start_0:
0x88: {  	s2 =	sld [smem:$0x3FD9]  }
0x89: {  	s3 =	sld [smem:$0x3FFE];
	_ =	sdelay $0x1  }
0x8a: {  	s1 =	srdreg.scid  }
0x8b: {  	s0 =	sand.u32 $0x1, s1  }
0x8c: {  	s16 =	sshll.u32 s0, $0xA;
	s2 =	sadd.s32 s3, s2  }
0x8d: {  	s2 =	sadd.s32 s2, s16  }
0x8e: {  	[smem:$0x3FBE] =	sst s2  }
0x8f: {  	_ = 	snop  }
0x90: {  	(tm) =	ssettm $0x1  }
0x91: {  	s17 =	sld [smem:$0x3FFB];
	_ =	sdelay $0x3  }
0x92: {  	_ =	strace s17  }
0x93: {  	s2 =	sld [smem:$0x3FFC];
	_ =	sdelay $0x3  }
0x94: {  	_ =	strace s2  }
0x95: {  	s2 =	sld [smem:$0x3FFD];
	_ =	sdelay $0x3  }
0x96: {  	_ =	strace s2  }
0x97: {  	_ =	strace $0x8FFFFFFF  }
0x98: {  	s18 =	sld [smem:$0x3FDB];
	_ =	sdelay $0x1  }
0x99: {  	s19 =	simm.s32 $_scs_section_size  }
0x9a: {  	s4 =	simm.s32 $_size__tile_overlayer_lowered;
	s5 =	simm.s32 $_tile_overlayer_lowered  }
0x9b: {  	s22 =	simm.s32 $0x1BFF;
	s21 =	sshll.u32 s5, $0x1;
	s2 =	sadd.s32 s19, s18  }
0x9c: {  	s6 =	simm.s32 $0x0;
	s20 =	sshll.u32 s4, $0x1;
	s4 =	sadd.s32 s21, s2  }
0x9d: {  	[timem:s6], [sflag:s22] =	dma.local [hbm:s4], s20  }
0x9e: {  	_ =	swait.ge [sflag:s22], s20  }
0x9f: {  	s3 =	ssub.s32 $0x0, s20;
	[sflag:s22] =	ssyncset.done $0x0  }
0xa0: {  	[sflag:s22] =	ssyncadd.s32 s3;
	_ =	sdelay $0x1  }
0xa1: {  	s23 =	simm.s32 $0x1B8B  }
0xa2: {  	_ =	swait.ge [sflag:s23], $0x1  }
0xa3: {  	[sflag:s23] =	ssyncset.done $0x0  }
0xa4: {  	s25 =	simm.s32 $0x1B8E;
	s24 =	sld [smem:$0x3FFE];
	[sflag:s23] =	ssyncadd.s32 $0xFFFFFFFF  }
0xa5: {  	s26 =	simm.s32 $execute0_lowered;
	[smem:$0x3FD2] =	sst s25  }
0xa6: {  	s4 =	sshll.u32 s26, $0x1;
	_ =	strace $0x8000004F;
	[dreg:$0x1] =	wrdreg $0xFFFFFFFF  }
0xa7: {  	s28 =	simm.s32 $_size_execute0_lowered;
	s2 =	sadd.s32 s2, s4;
	[dreg:$0x0] =	wrdreg $0x0  }
0xa8: {  	s4 =	sshll.u32 s28, $0x1;
	[dreg:$0x2] =	wrdreg s2  }
0xa9: {  	[dreg:$0x3] =	wrdreg s4  }
0xaa: {  	[dreg:$0x4] =	wrdreg $0xC0  }
0xab: {  	_ =	task [dreg:s6], $0x5FFFF  }
0xac: {  	[dreg:$0x1] =	wrdreg $0xFFFFFFFF  }
0xad: {  	[dreg:$0x0] =	wrdreg $0x60  }
0xae: {  	[dreg:$0x2] =	wrdreg s24  }
0xaf: {  	[dreg:$0x3] =	wrdreg $0x0  }
0xb0: {  	[dreg:$0x4] =	wrdreg $0x9  }
0xb1: {  	_ =	task.clear_ibuf [dreg:s6], $0x5FFFF;
	_ =	strace $0x9000004F  }
0xb2: {  	s29 =	simm.s32 $0x9;
	_ =	strace $0x80000051  }
0xb3: {  	_ =	swait.ge [sflag:s29], $0x1  }
0xb4: {  	[sflag:s29] =	ssyncadd.s32 $0xFFFFFFFF  }
0xb5: {  	_ =	strace $0x90000051  }
0xb6: {  	_ =	sfence  }
0xb7: {  	s30 =	sld [smem:$0x0];
	_ =	sdelay $0x2  }
0xb8: {  	s31 =	sshll.u32 s1, $0xD;
	s1 =	sshrl.u32 s1, $0x2  }
0xb9: {  	s3 =	sand.u32 $0x4000, s31;
	s1 =	sadd.s32 s1, s30  }
0xba: {  	s0 =	sor.u32 s3, s0;
	s1 =	sshll.u32 s1, $0x11  }
0xbb: {  	s0 =	sor.u32 s1, s0  }
0xbc: {  	s0 =	sadd.s32 $0x8F2B, s0  }
0xbd: {  	[sflag:s0] =	ssyncadd.remote.s32 $0x1  }
0xbe: {  	_ =	sfence.sel $0xFFFF  }
0xbf: {  	[dreg:$0x0] =	wrdreg $0xFFFFFFFF;
	(pc) =	sbr.abs _section_cstart, $3  }
0xc0: {  	[dreg:$0x1] =	wrdreg $0xFFFFFFFF  }
0xc1: {  	_ =	task.clear_ibuf [dreg:s6], $0x2FFFF;
	_ =	strace $0x9FFFFFFF  }
0xc2: {  	(tm) =	ssettm $0x7FFFFFFF  }
0xc3: {  	_ =	shalt  }
tec
execute0_lowered:
.L_overlay_start_1:
0x0: {  	(tag) =	ssettag $0x1  }
0x1: {  	s0 =	srdreg.scid;
	s6 =	rddreg [dreg:$0x0]  }
0x2: {  	s2 =	rddreg [dreg:$0x1];
	s3 =	simm.s32 $0x0;
	s14 =	simm.s32 $0x16400  }
0x3: {  	s15 =	simm.s32 $0x80;
	s5 =	sand.u32 $0x1, s0;
	s0 =	stileid.u32  }
0x4: {  	s16 =	simm.s32 $0x18C00;
	s17 =	simm.s32 $0x0;
	s8 =	smul.u32 $0x13C00, s0  }
0x5: {  	[smem:$0x7FF] =	sst s3;
	s1 =	sshll.u32 s5, $0x4;
	s9 =	smul.u32 $0x13C000, s5  }
0x6: {  	s5 =	ssub.s32 $0x2, s5;
	s29 =	smul.u32 $0x4F000, s0;
	s31 =	sshll.u32 s0, $0x6  }
0x7: {  	s4 =	sor.u32 s0, s1;
	s1 =	rddreg [dreg:$0x2];
	_ =	strace $0x80000050  }
0x8: {  	s11 =	sshrl.u32 s5, $0x1;
	s7 =	smul.u32 $0x500, s4;
	s4 =	sadd.s32 $0x62200, s6  }
0x9: {  	s28 =	sshrl.u32 s8, $0x3;
	s8 =	sadd.s32 s8, s9;
	s30 =	sshrl.u32 s29, $0x2  }
0xa: {  	s11 =	ssub.s32 s5, s11;
	s8 =	sshrl.u32 s8, $0x3;
	s13 =	sadd.s32 s30, s2  }
0xb: {  	s10 =	sadd.s32 s7, s6;
	s7 =	sadd.s32 s28, s6;
	s12 =	sadd.s32 s8, s6  }
0xc: {  	s6 =	sor.u32 $0x1C01, s31;
	s5 =	sadd.s32 $0x89400, s7;
	s7 =	sadd.s32 $0x31000, s10  }
0xd: {  	s8 =	sadd.s32 $0x27000, s10;
	s9 =	sadd.s32 $0xB0C00, s12;
	s10 =	smax.u32 s11, $0x1  }
0xe: {  	s11 =	sshrl.u32 s13, $0x3;
	s12 =	simm.s32 $0x1;
	s13 =	simm.s32 $0x13C00  }
.LBB2_1:
0xf: {  	[spmem:s11], [sflag:s6] =	dma.local [hbm:s5], $0x2780  }
0x10: {  	_ =	swait.ge [sflag:s12], $0x2780  }
0x11: {  	[sflag:s12] =	ssyncset.done $0x0  }
0x12: {  	[sflag:s12] =	ssyncadd.s32 $0xFFFFD880  }
0x13: {  	[tilespmem:s13], [sflag:$0x1] =	stream.linear.gather [hbm4b:s7+s3], $0x2780, $0x38;
	[tilespmem:$0x1CC00] =	vst v63  }
0x14: {  	_ =	swait.ge [sflag:s12], $0x2780  }
0x15: {  	[sflag:s12] =	ssyncset.done $0x0  }
0x16: {  	[sflag:s12] =	ssyncadd.s32 $0xFFFFD880  }
0x17: {  	[tilespmem:s14], [sflag:$0x1] =	stream.linear.gather [hbm4b:s8+s3], $0x2780, $0x38;
	[tilespmem:$0x1CC00] =	vst v63  }
0x18: {  	_ =	swait.ge [sflag:s12], $0x2780  }
0x19: {  	[sflag:s12] =	ssyncset.done $0x0  }
0x1a: {  	[sflag:s12] =	ssyncadd.s32 $0xFFFFD880  }
0x1b: {  	s18 =	simm.s32 $0x13C00;
	[bflag:$0x0] =	sbarrier.arrive $0xFFFF  }
0x1c: {  	[tilespmem:s16], [sflag:$0x1] =	stream.indirect.gather [hbm4b:s4+s15], $0x80, s18, s15, $0xb8;
	[tilespmem:$0x1CC00] =	vst v63  }
0x1d: {  	_ =	swait.ge [sflag:s12], $0x4000  }
0x1e: {  	[sflag:s12] =	ssyncset.done $0x0  }
0x1f: {  	s31 =	simm.s32 $0x16400;
	[sflag:s12] =	ssyncadd.s32 $0xFFFFC000  }
0x20: {  	[spmem:s2] =	stream.indirect.scatter.add.f32 [tilespmem:s16], [sflag:$0x1], $0x80, s31, s15, $0xb8;
	[tilespmem:$0x1CC00] =	vst v63  }
0x21: {  	_ =	swait.ge [sflag:s12], $0x4000  }
0x22: {  	s19 =	simm.s32 $0x400;
	s18 =	simm.s32 $0x80;
	[sflag:s12] =	ssyncset.done $0x0  }
.LBB2_2:
0x23: {  	s20 =	sadd.s32 $0x13C00, s18  }
0x24: {  	[sflag:s12] =	ssyncadd.s32 $0xFFFFC000;
	s21 =	smov.u32 s19;
	s22 =	sadd.s32 $0x200, s19  }
0x25: {  	[tilespmem:s16], [sflag:$0x1] =	stream.indirect.gather [hbm4b:s4+s15], $0x80, s20, s15, $0xb8;
	[tilespmem:$0x1CC00] =	vst v63  }
0x26: {  	p0 =	sne.s32 s19, $0x9C00;
	_ =	swait.ge [sflag:s12], $0x4000  }
.Ltmp0:
0x27: {  	[sflag:s12] =	ssyncset.done $0x0;
	(pc) =	sbr.rel @p0 .LBB2_2-.Ltmp0, $4  }
0x28: {  	s18 =	sadd.s32 $0x16400, s18;
	[sflag:s12] =	ssyncadd.s32 $0xFFFFC000  }
0x29: {  	[spmem:s2] =	stream.indirect.scatter.add.f32 [tilespmem:s16], [sflag:$0x1], $0x80, s18, s15, $0xb8;
	[tilespmem:$0x1CC00] =	vst v63  }
0x2a: {  	_ =	swait.ge [sflag:s12], $0x4000  }
0x2b: {  	s19 =	smov.u32 s22;
	s18 =	sshra.s32 s21, $0x2;
	[sflag:s12] =	ssyncset.done $0x0  }
0x2c: {  	s19 =	sadd.s32 $0x13C00, s18;
	[sflag:s12] =	ssyncadd.s32 $0xFFFFC000  }
0x2d: {  	[tilespmem:s16], [sflag:$0x1] =	stream.indirect.gather [hbm4b:s4+s15], $0x80, s19, s15, $0xb8;
	[tilespmem:$0x1CC00] =	vst v63  }
0x2e: {  	_ =	swait.ge [sflag:s12], $0x4000  }
0x2f: {  	[sflag:s12] =	ssyncset.done $0x0  }
0x30: {  	s31 =	sadd.s32 $0x16400, s18;
	[sflag:s12] =	ssyncadd.s32 $0xFFFFC000  }
0x31: {  	[spmem:s2] =	stream.indirect.scatter.add.f32 [tilespmem:s16], [sflag:$0x1], $0x80, s31, s15, $0xb8;
	[tilespmem:$0x1CC00] =	vst v63  }
0x32: {  	_ =	swait.ge [sflag:s12], $0x4000  }
0x33: {  	s17 =	sadd.s32 $0x1, s17;
	[sflag:s12] =	ssyncset.done $0x0  }
0x34: {  	p0 =	sne.s32 s17, s10;
	[sflag:s12] =	ssyncadd.s32 $0xFFFFC000  }
.Ltmp1:
0x35: {  	[bflag:$0x0] =	sbarrier.arrive $0xFFFF;
	(pc) =	sbr.rel @p0 .LBB2_1-.Ltmp1, $4  }
0x36: {  	[hbm:s9], [sflag:s6] =	dma.local [spmem:s11], $0x2780  }
0x37: {  	_ =	swait.ge [sflag:s12], $0x2780  }
0x38: {  	[sflag:s12] =	ssyncset.done $0x0  }
0x39: {  	[sflag:s12] =	ssyncadd.s32 $0xFFFFD880  }
0x3a: {  	_ =	sfence.sel $0x180000  }
0x3b: {  	[bflag:$0x0] =	sbarrier.arrive $0xFFFF  }
0x3c: {  	p0 =	sne.s32 s0, $0x0;
	_ =	strace $0x90000050  }
0x3d: {  	s0 =	sadd.s32 @!p0 $0x100000, s1;
	[bflag:$0x2] =	sbarrier.arrive $0xFFFF  }
0x3e: {  	[sflag:s0] =	ssyncadd.tile.s32 @!p0 $0x1;
	_ =	shalt  }
.Lfunc_end2:
_tile_overlayer_lowered:
.L_overlay_start_2:
0x3f: {  	(tag) =	ssettag $0x2  }
0x40: {  	s0 =	rddreg [dreg:$0x0];
	s2 =	stileid.u32  }
0x41: {  	s1 =	rddreg [dreg:$0x1];
	p0 =	sne.s32 s2, $0x0  }
0x42: {  	s3 =	rddreg [dreg:$0x2];
	[bflag:$0x3] =	sbarrier.arrive $0xFFFF;
	s2 =	simm.s32 @!p0 $0x1C01  }
0x43: {  	[timem:s3], [sflag:s2] =	dma.local @!p0 [hbm:s0], s1  }
0x44: {  	s0 =	simm.s32 @!p0 $0x1  }
0x45: {  	_ =	swait.ge @!p0 [sflag:s0], s1  }
0x46: {  	s1 =	ssub.s32 @!p0 $0x0, s1;
	[sflag:s0] =	ssyncset.done @!p0 $0x0  }
0x47: {  	[sflag:s0] =	ssyncadd.s32 @!p0 s1  }
0x48: {  	[bflag:$0x3] =	sbarrier.arrive $0xFFFF  }
0x49: {  	_ =	shalt  }

// kernel: kernel.26.cloned.1.call-start
scs
__scs_entry_jumppad:
0x0: {  	(pc) =	sbr.rel $0x88, $3  }
0x1: {  	(tag) =	ssettag $0x0;
	lr =	simm.s32 $0x1  }
0x2: {  	[smem:$0x3F97] =	sst lr;
	_ =	strace $0xD0000000  }
0x3: {  	_ = 	snop  }
0x4: {  	_ = 	snop  }
0x5: {  	_ = 	snop  }
0x6: {  	_ = 	snop  }
0x7: {  	_ = 	snop  }
__scs_overlays_trampoline_lowered:
0x8: {  	[smem:$0x3FA6] =	sst s0  }
0x9: {  	[smem:$0x3FA7] =	sst s1  }
0xa: {  	[smem:$0x3FA8] =	sst s2  }
0xb: {  	[smem:$0x3FA9] =	sst s3  }
0xc: {  	[smem:$0x3FAA] =	sst s4  }
0xd: {  	[smem:$0x3FAB] =	sst s5  }
0xe: {  	[smem:$0x3FAC] =	sst s6  }
0xf: {  	[smem:$0x3FAD] =	sst s7  }
0x10: {  	[smem:$0x3FAE] =	sst s8  }
0x11: {  	[smem:$0x3FAF] =	sst s9;
	s0 =	simm.s32 @!p0 $0x0  }
0x12: {  	s1 =	sld [smem:$0x3F95];
	s0 =	simm.s32 @p0 $0x1  }
0x13: {  	[smem:$0x3FB0] =	sst s0;
	s0 =	simm.s32 @!p1 $0x0  }
0x14: {  	s2 =	sld [smem:$0x3F94];
	s0 =	simm.s32 @p1 $0x1  }
0x15: {  	[smem:$0x3FB1] =	sst s0;
	s0 =	simm.s32 @!p2 $0x0  }
0x16: {  	s3 =	sld [smem:$0x3FDB];
	s0 =	simm.s32 @p2 $0x1  }
0x17: {  	s4 =	simm.s32 $0x1BF5;
	[smem:$0x3FB3] =	sst s0  }
0x18: {  	s0 =	sld [smem:$0x3F96];
	_ =	swait.ge [sflag:s4], $0x0  }
0x19: {  	s7 =	sld [smem:$0x3F97]  }
0x1a: {  	s8 =	sadd.s32 $0xFFFFE003, lr  }
0x1b: {  	s9 =	sadd.s32 $0xFFFFFEF7, lr;
	s5 =	simm.s32 $0xFFFFFFFF;
	p2 =	slt.u32 s8, $0xFFFFF086  }
0x1c: {  	p1 =	slt.u32 s9, $0xF7A;
	s5 =	simm.s32 @!p2 $0x0  }
0x1d: {  	s5 =	simm.s32 @p1 $0x1;
	p0 =	seq.s32 s7, s2  }
0x1e: {  	s7 =	smul.u32 @!p0 $0xF7A, s2;
	p2 =	seq.s32 @!p0 s5, $0x0  }
0x1f: {  	s9 =	smul.u32 $0xF7A, s1;
	s8 =	simm.s32 @!p0 $0x1BF5;
	p2 =	por !p2, p0  }
0x20: {  	[sflag:s8] =	ssyncset.s32 @!p0 $0xFFFFF086;
	s6 =	sadd.s32 @!p0 s3, s7;
	s7 =	simm.s32 @!p0 $0x108  }
0x21: {  	s3 =	sadd.s32 s3, s9;
	s6 =	sadd.s32 @!p0 $0x88, s6;
	s7 =	simm.s32 @p2 $0x1082  }
0x22: {  	[simem:s7], [sflag:s8] =	dma.local @!p0 [hbm:s6], $0xF7A  }
0x23: {  	s9 =	sor.u32 $0xD0000000, s2;
	s6 =	simm.s32 $0x108;
	_ =	swait.ge @!p0 [sflag:s8], $0x0  }
0x24: {  	s3 =	sadd.s32 $0x88, s3;
	s6 =	simm.s32 @!p1 $0x1082;
	[sflag:s4] =	ssyncset.s32 $0xFFFFF086  }
0x25: {  	[simem:s6], [sflag:s4] =	dma.local [hbm:s3], $0xF7A  }
0x26: {  	[smem:$0x3F97] =	sst s1;
	(tag) =	ssettag s2;
	_ =	strace s9  }
0x27: {  	s1 =	sld [smem:$0x3FA7]  }
0x28: {  	s2 =	sld [smem:$0x3FA8]  }
0x29: {  	s4 =	sld [smem:$0x3FAA]  }
0x2a: {  	p0 =	seq.s32 s5, $0x0;
	s5 =	sld [smem:$0x3FAB]  }
0x2b: {  	s6 =	sld [smem:$0x3FAC]  }
0x2c: {  	s7 =	sld [smem:$0x3FAD]  }
0x2d: {  	s3 =	simm.s32 $0x108;
	s8 =	sld [smem:$0x3FAE]  }
0x2e: {  	s3 =	simm.s32 @!p0 $0x1082;
	s9 =	sld [smem:$0x3FAF]  }
0x2f: {  	lr =	sadd.s32 s0, s3;
	s0 =	sld [smem:$0x3FA6]  }
0x30: {  	s3 =	sld [smem:$0x3FA9]  }
0x31: {  	[smem:$0x3FB2] =	sst s10  }
0x32: {  	s10 =	sld [smem:$0x3FB0];
	_ =	sdelay $0x3  }
0x33: {  	p0 =	seq.s32 s10, $0x1;
	s10 =	sld [smem:$0x3FB2];
	_ =	sdelay $0x3  }
0x34: {  	[smem:$0x3FB2] =	sst s10  }
0x35: {  	s10 =	sld [smem:$0x3FB1];
	_ =	sdelay $0x3  }
0x36: {  	p1 =	seq.s32 s10, $0x1;
	s10 =	sld [smem:$0x3FB2];
	_ =	sdelay $0x3  }
0x37: {  	[smem:$0x3FB2] =	sst s10  }
0x38: {  	s10 =	sld [smem:$0x3FB3]  }
0x39: {  	_ = 	snop;
	(pc) =	sbr.ind lr, $3  }
0x3a: {  	_ = 	snop  }
0x3b: {  	_ = 	snop  }
0x3c: {  	p2 =	seq.s32 s10, $0x1;
	s10 =	sld [smem:$0x3FB2]  }
0x3d: {  	_ =	shalt  }
0x3e: {  	_ =	shalt  }
0x3f: {  	_ =	shalt  }
0x40: {  	_ =	shalt  }
0x41: {  	_ =	shalt  }
0x42: {  	_ =	shalt  }
0x43: {  	_ =	shalt  }
0x44: {  	_ =	shalt  }
0x45: {  	_ =	shalt  }
0x46: {  	_ =	shalt  }
0x47: {  	_ =	shalt  }
0x48: {  	_ =	shalt  }
0x49: {  	_ =	shalt  }
0x4a: {  	_ =	shalt  }
0x4b: {  	_ =	shalt  }
0x4c: {  	_ =	shalt  }
0x4d: {  	_ =	shalt  }
0x4e: {  	_ =	shalt  }
0x4f: {  	_ =	shalt  }
0x50: {  	_ =	shalt  }
0x51: {  	_ =	shalt  }
0x52: {  	_ =	shalt  }
0x53: {  	_ =	shalt  }
0x54: {  	_ =	shalt  }
0x55: {  	_ =	shalt  }
0x56: {  	_ =	shalt  }
0x57: {  	_ =	shalt  }
0x58: {  	_ =	shalt  }
0x59: {  	_ =	shalt  }
0x5a: {  	_ =	shalt  }
0x5b: {  	_ =	shalt  }
0x5c: {  	_ =	shalt  }
0x5d: {  	_ =	shalt  }
0x5e: {  	_ =	shalt  }
0x5f: {  	_ =	shalt  }
0x60: {  	_ =	shalt  }
0x61: {  	_ =	shalt  }
0x62: {  	_ =	shalt  }
0x63: {  	_ =	shalt  }
0x64: {  	_ =	shalt  }
0x65: {  	_ =	shalt  }
0x66: {  	_ =	shalt  }
0x67: {  	_ =	shalt  }
0x68: {  	_ =	shalt  }
0x69: {  	_ =	shalt  }
0x6a: {  	_ =	shalt  }
0x6b: {  	_ =	shalt  }
0x6c: {  	_ =	shalt  }
0x6d: {  	_ =	shalt  }
0x6e: {  	_ =	shalt  }
0x6f: {  	_ =	shalt  }
0x70: {  	_ =	shalt  }
0x71: {  	_ =	shalt  }
0x72: {  	_ =	shalt  }
0x73: {  	_ =	shalt  }
0x74: {  	_ =	shalt  }
0x75: {  	_ =	shalt  }
0x76: {  	_ =	shalt  }
0x77: {  	_ =	shalt  }
0x78: {  	_ =	shalt  }
0x79: {  	_ =	shalt  }
0x7a: {  	_ =	shalt  }
0x7b: {  	_ =	shalt  }
0x7c: {  	_ =	shalt  }
0x7d: {  	_ =	shalt  }
0x7e: {  	_ =	shalt  }
0x7f: {  	_ =	shalt  }
0x80: {  	_ =	shalt  }
0x81: {  	_ =	shalt  }
0x82: {  	_ =	shalt  }
0x83: {  	_ =	shalt  }
0x84: {  	_ =	shalt  }
0x85: {  	_ =	shalt  }
0x86: {  	_ =	shalt  }
0x87: {  	_ =	shalt  }
.Lfunc_end0:
.L_simem_size_0:
called_computation.4_lowered:
.L_overlay_start_0:
0x88: {  	s2 =	sld [smem:$0x3FD9]  }
0x89: {  	s3 =	sld [smem:$0x3FFE];
	_ =	sdelay $0x1  }
0x8a: {  	s1 =	srdreg.scid  }
0x8b: {  	s0 =	sand.u32 $0x1, s1  }
0x8c: {  	s17 =	sshll.u32 s0, $0xA;
	s2 =	sadd.s32 s3, s2  }
0x8d: {  	s2 =	sadd.s32 s2, s17  }
0x8e: {  	[smem:$0x3FBE] =	sst s2  }
0x8f: {  	_ = 	snop  }
0x90: {  	s2 =	sld [smem:$0x3FD0];
	(tm) =	ssettm $0x1  }
0x91: {  	s18 =	sld [smem:$0x3FFB];
	_ =	sdelay $0x3  }
0x92: {  	_ =	strace s18  }
0x93: {  	s3 =	sld [smem:$0x3FFC];
	_ =	sdelay $0x3  }
0x94: {  	_ =	strace s3  }
0x95: {  	s3 =	sld [smem:$0x3FFD];
	_ =	sdelay $0x3  }
0x96: {  	_ =	strace s3  }
0x97: {  	_ =	strace $0x8FFFFFFF  }
0x98: {  	s19 =	sld [smem:$0x3FDB];
	_ =	sdelay $0x1  }
0x99: {  	s4 =	simm.s32 $_scs_section_size  }
0x9a: {  	s5 =	simm.s32 $_size__tile_overlayer_lowered;
	s6 =	simm.s32 $_tile_overlayer_lowered  }
0x9b: {  	s22 =	simm.s32 $0x1BFF;
	s21 =	sshll.u32 s6, $0x1;
	s3 =	sadd.s32 s4, s19  }
0x9c: {  	s7 =	simm.s32 $0x0;
	s20 =	sshll.u32 s5, $0x1;
	s5 =	sadd.s32 s21, s3  }
0x9d: {  	[timem:s7], [sflag:s22] =	dma.local [hbm:s5], s20  }
0x9e: {  	_ =	swait.ge [sflag:s22], s20  }
0x9f: {  	s4 =	ssub.s32 $0x0, s20;
	[sflag:s22] =	ssyncset.done $0x0  }
0xa0: {  	[sflag:s22] =	ssyncadd.s32 s4;
	_ =	sdelay $0x1  }
0xa1: {  	s23 =	simm.s32 $0x1B8B  }
0xa2: {  	_ =	swait.ge [sflag:s23], $0x1  }
0xa3: {  	[sflag:s23] =	ssyncset.done $0x0  }
0xa4: {  	s25 =	simm.s32 $0x1B8E;
	s24 =	sld [smem:$0x3FFE];
	[sflag:s23] =	ssyncadd.s32 $0xFFFFFFFF  }
0xa5: {  	s26 =	simm.s32 $execute0_lowered;
	[smem:$0x3FD2] =	sst s25  }
0xa6: {  	s5 =	sshll.u32 s26, $0x1;
	_ =	strace $0x80000052;
	[dreg:$0x1] =	wrdreg $0xFFFFFFFF  }
0xa7: {  	s28 =	simm.s32 $_size_execute0_lowered;
	s3 =	sadd.s32 s3, s5;
	[dreg:$0x0] =	wrdreg $0x0  }
0xa8: {  	s5 =	sshll.u32 s28, $0x1;
	[dreg:$0x2] =	wrdreg s3  }
0xa9: {  	[dreg:$0x3] =	wrdreg s5  }
0xaa: {  	[dreg:$0x4] =	wrdreg $0xC0  }
0xab: {  	_ =	task [dreg:s7], $0x5FFFF  }
0xac: {  	[dreg:$0x1] =	wrdreg $0xFFFFFFFF  }
0xad: {  	[dreg:$0x0] =	wrdreg $0x60  }
0xae: {  	[dreg:$0x2] =	wrdreg s24  }
0xaf: {  	[dreg:$0x3] =	wrdreg s2  }
0xb0: {  	[dreg:$0x4] =	wrdreg $0x0  }
0xb1: {  	[dreg:$0x5] =	wrdreg $0x9  }
0xb2: {  	_ =	task.clear_ibuf [dreg:s7], $0x6FFFF;
	_ =	strace $0x90000052  }
0xb3: {  	s29 =	simm.s32 $0x9;
	_ =	strace $0x80000054  }
0xb4: {  	_ =	swait.ge [sflag:s29], $0x1  }
0xb5: {  	[sflag:s29] =	ssyncadd.s32 $0xFFFFFFFF  }
0xb6: {  	_ =	strace $0x90000054  }
0xb7: {  	_ =	sfence  }
0xb8: {  	s30 =	sld [smem:$0x0];
	_ =	sdelay $0x2  }
0xb9: {  	s31 =	sshll.u32 s1, $0xD;
	s1 =	sshrl.u32 s1, $0x2  }
0xba: {  	s3 =	sand.u32 $0x4000, s31;
	s1 =	sadd.s32 s1, s30  }
0xbb: {  	s0 =	sor.u32 s3, s0;
	s1 =	sshll.u32 s1, $0x11  }
0xbc: {  	s0 =	sor.u32 s1, s0  }
0xbd: {  	s0 =	sadd.s32 $0x8F2B, s0  }
0xbe: {  	[sflag:s0] =	ssyncadd.remote.s32 $0x1  }
0xbf: {  	_ =	sfence.sel $0xFFFF  }
0xc0: {  	[dreg:$0x0] =	wrdreg $0xFFFFFFFF;
	(pc) =	sbr.abs _section_cstart, $3  }
0xc1: {  	[dreg:$0x1] =	wrdreg $0xFFFFFFFF  }
0xc2: {  	_ =	task.clear_ibuf [dreg:s7], $0x2FFFF;
	_ =	strace $0x9FFFFFFF  }
0xc3: {  	(tm) =	ssettm $0x7FFFFFFF  }
tec
execute0_lowered:
.L_overlay_start_1:
0x0: {  	(tag) =	ssettag $0x1  }
0x1: {  	s5 =	rddreg [dreg:$0x0]  }
0x2: {  	s6 =	rddreg [dreg:$0x1]  }
0x3: {  	s2 =	rddreg [dreg:$0x2];
	s3 =	srdreg.scid  }
0x4: {  	s0 =	rddreg [dreg:$0x3];
	s1 =	stileid.u32  }
0x5: {  	s13 =	simm.s32 $0x2780;
	s14 =	simm.s32 $0x4F00;
	s15 =	simm.s32 $0x80  }
0x6: {  	s16 =	simm.s32 $0x7680;
	s17 =	simm.s32 $0x0;
	s7 =	sand.u32 $0x1, s3  }
0x7: {  	s3 =	simm.s32 $0x0;
	s8 =	smul.u32 $0x2780, s1;
	s31 =	sshll.u32 s1, $0x6  }
0x8: {  	s4 =	sshll.u32 s7, $0x4;
	[smem:$0x7FF] =	sst s3;
	s9 =	smul.u32 $0x27800, s7  }
0x9: {  	s7 =	ssub.s32 $0x2, s7;
	s4 =	sor.u32 s1, s4;
	_ =	strace $0x80000053  }
0xa: {  	s11 =	sshrl.u32 s7, $0x1;
	s30 =	sshrl.u32 s8, $0x3;
	s10 =	smul.u32 $0x4F0, s4  }
0xb: {  	s12 =	sadd.s32 s8, s2;
	s4 =	sadd.s32 $0x18200, s5;
	s9 =	sadd.s32 s8, s9  }
0xc: {  	s11 =	ssub.s32 s7, s11;
	s9 =	sshrl.u32 s9, $0x3;
	s10 =	sadd.s32 s10, s5  }
0xd: {  	s9 =	sadd.s32 s9, s5;
	s5 =	sadd.s32 s6, s30;
	s6 =	sor.u32 $0x1C01, s31  }
0xe: {  	s7 =	sadd.s32 $0xE400, s10;
	s8 =	sadd.s32 $0x4600, s10;
	s9 =	sadd.s32 $0x1D200, s9  }
0xf: {  	s10 =	smax.u32 s11, $0x1;
	s11 =	sshrl.u32 s12, $0x3;
	s12 =	simm.s32 $0x1  }
.LBB2_1:
0x10: {  	[spmem:s11], [sflag:s6] =	dma.local [hbm:s5], $0x4F0  }
0x11: {  	_ =	swait.ge [sflag:s12], $0x4F0  }
0x12: {  	[sflag:s12] =	ssyncset.done $0x0  }
0x13: {  	[sflag:s12] =	ssyncadd.s32 $0xFFFFFB10  }
0x14: {  	[tilespmem:s13], [sflag:$0x1] =	stream.linear.gather [hbm4b:s7+s3], $0x2780, $0x38;
	[tilespmem:$0x7E80] =	vst v63  }
0x15: {  	_ =	swait.ge [sflag:s12], $0x2780  }
0x16: {  	[sflag:s12] =	ssyncset.done $0x0  }
0x17: {  	[sflag:s12] =	ssyncadd.s32 $0xFFFFD880  }
0x18: {  	[tilespmem:s14], [sflag:$0x1] =	stream.linear.gather [hbm4b:s8+s3], $0x2780, $0x38;
	[tilespmem:$0x7E80] =	vst v63  }
0x19: {  	_ =	swait.ge [sflag:s12], $0x2780  }
0x1a: {  	[sflag:s12] =	ssyncset.done $0x0  }
0x1b: {  	[sflag:s12] =	ssyncadd.s32 $0xFFFFD880  }
0x1c: {  	s18 =	simm.s32 $0x2780;
	[bflag:$0x0] =	sbarrier.arrive $0xFFFF  }
0x1d: {  	[tilespmem:s16], [sflag:$0x1] =	stream.indirect.gather [hbm4b:s4+s15], $0x10, s18, s15, $0xb8;
	[tilespmem:$0x7E80] =	vst v63  }
0x1e: {  	_ =	swait.ge [sflag:s12], $0x800  }
0x1f: {  	[sflag:s12] =	ssyncset.done $0x0  }
0x20: {  	s31 =	simm.s32 $0x4F00;
	[sflag:s12] =	ssyncadd.s32 $0xFFFFF800  }
0x21: {  	[spmem:s2] =	stream.indirect.scatter.add.f32 [tilespmem:s16], [sflag:$0x1], $0x10, s31, s15, $0xb8;
	[tilespmem:$0x7E80] =	vst v63  }
0x22: {  	_ =	swait.ge [sflag:s12], $0x800  }
0x23: {  	s19 =	simm.s32 $0x400;
	s18 =	simm.s32 $0x80;
	[sflag:s12] =	ssyncset.done $0x0  }
.LBB2_2:
0x24: {  	s20 =	sadd.s32 $0x2780, s18  }
0x25: {  	[sflag:s12] =	ssyncadd.s32 $0xFFFFF800;
	s21 =	smov.u32 s19;
	s22 =	sadd.s32 $0x200, s19  }
0x26: {  	[tilespmem:s16], [sflag:$0x1] =	stream.indirect.gather [hbm4b:s4+s15], $0x10, s20, s15, $0xb8;
	[tilespmem:$0x7E80] =	vst v63  }
0x27: {  	p0 =	sne.s32 s19, $0x9C00;
	_ =	swait.ge [sflag:s12], $0x800  }
.Ltmp0:
0x28: {  	[sflag:s12] =	ssyncset.done $0x0;
	(pc) =	sbr.rel @p0 .LBB2_2-.Ltmp0, $4  }
0x29: {  	s18 =	sadd.s32 $0x4F00, s18;
	[sflag:s12] =	ssyncadd.s32 $0xFFFFF800  }
0x2a: {  	[spmem:s2] =	stream.indirect.scatter.add.f32 [tilespmem:s16], [sflag:$0x1], $0x10, s18, s15, $0xb8;
	[tilespmem:$0x7E80] =	vst v63  }
0x2b: {  	_ =	swait.ge [sflag:s12], $0x800  }
0x2c: {  	s19 =	smov.u32 s22;
	s18 =	sshra.s32 s21, $0x2;
	[sflag:s12] =	ssyncset.done $0x0  }
0x2d: {  	s19 =	sadd.s32 $0x2780, s18;
	[sflag:s12] =	ssyncadd.s32 $0xFFFFF800  }
0x2e: {  	[tilespmem:s16], [sflag:$0x1] =	stream.indirect.gather [hbm4b:s4+s15], $0x10, s19, s15, $0xb8;
	[tilespmem:$0x7E80] =	vst v63  }
0x2f: {  	_ =	swait.ge [sflag:s12], $0x800  }
0x30: {  	[sflag:s12] =	ssyncset.done $0x0  }
0x31: {  	s31 =	sadd.s32 $0x4F00, s18;
	[sflag:s12] =	ssyncadd.s32 $0xFFFFF800  }
0x32: {  	[spmem:s2] =	stream.indirect.scatter.add.f32 [tilespmem:s16], [sflag:$0x1], $0x10, s31, s15, $0xb8;
	[tilespmem:$0x7E80] =	vst v63  }
0x33: {  	_ =	swait.ge [sflag:s12], $0x800  }
0x34: {  	s17 =	sadd.s32 $0x1, s17;
	[sflag:s12] =	ssyncset.done $0x0  }
0x35: {  	p0 =	sne.s32 s17, s10;
	[sflag:s12] =	ssyncadd.s32 $0xFFFFF800  }
.Ltmp1:
0x36: {  	[bflag:$0x0] =	sbarrier.arrive $0xFFFF;
	(pc) =	sbr.rel @p0 .LBB2_1-.Ltmp1, $4  }
0x37: {  	[hbm:s9], [sflag:s6] =	dma.local [spmem:s11], $0x4F0  }
0x38: {  	_ =	swait.ge [sflag:s12], $0x4F0  }
0x39: {  	[sflag:s12] =	ssyncset.done $0x0  }
0x3a: {  	[sflag:s12] =	ssyncadd.s32 $0xFFFFFB10  }
0x3b: {  	_ =	sfence.sel $0x180000  }
0x3c: {  	[bflag:$0x0] =	sbarrier.arrive $0xFFFF  }
0x3d: {  	p0 =	sne.s32 s1, $0x0;
	_ =	strace $0x90000053  }
0x3e: {  	s0 =	sadd.s32 @!p0 $0x100000, s0;
	[bflag:$0x2] =	sbarrier.arrive $0xFFFF  }
0x3f: {  	[sflag:s0] =	ssyncadd.tile.s32 @!p0 $0x1;
	_ =	shalt  }
.Lfunc_end2:
_tile_overlayer_lowered:
.L_overlay_start_2:
0x40: {  	(tag) =	ssettag $0x2  }
0x41: {  	s0 =	rddreg [dreg:$0x0];
	s2 =	stileid.u32  }
0x42: {  	s1 =	rddreg [dreg:$0x1];
	p0 =	sne.s32 s2, $0x0  }
0x43: {  	s3 =	rddreg [dreg:$0x2];
	[bflag:$0x3] =	sbarrier.arrive $0xFFFF;
	s2 =	simm.s32 @!p0 $0x1C01  }
0x44: {  	[timem:s3], [sflag:s2] =	dma.local @!p0 [hbm:s0], s1  }
0x45: {  	s0 =	simm.s32 @!p0 $0x1  }
0x46: {  	_ =	swait.ge @!p0 [sflag:s0], s1  }
0x47: {  	s1 =	ssub.s32 @!p0 $0x0, s1;
	[sflag:s0] =	ssyncset.done @!p0 $0x0  }
0x48: {  	[sflag:s0] =	ssyncadd.s32 @!p0 s1  }
0x49: {  	[bflag:$0x3] =	sbarrier.arrive $0xFFFF  }
0x4a: {  	_ =	shalt  }

</sc_bundles>
